<compile_context>
chip_gen: v7x
topology: tpu7x:2x2x1
jax: 0.10.2.dev20260603
libtpu: 0.0.44.dev20260713+nightly
codegen_flags: <defaults>
</compile_context>

<pallas_src>
import jax
import jax.numpy as jnp
from jax.experimental import pallas as pl
from jax.experimental.pallas import tpu as pltpu
from jax.experimental.pallas import tpu_sc as plsc

_ROWS = 16
_LANES = 16


def kernel(x, pos_table):
    B, S, D = x.shape
    pos = pos_table[:S]
    xf = x.reshape(B * S, D)
    n_seq_blocks = S // _ROWS

    mesh = plsc.VectorSubcoreMesh(core_axis_name="core",
                                  subcore_axis_name="subcore")

    @pl.kernel(out_type=jax.ShapeDtypeStruct((B * S, D), x.dtype), mesh=mesh)
    def sc_kernel(x_hbm, pos_hbm, o_hbm):
        def body(x_vmem, pos_vmem, o_vmem):
            @pl.loop(0, _ROWS)
            def _(r):
                @pl.loop(0, D, step=_LANES)
                def _(c):
                    slc = (pl.ds(r, 1), pl.ds(c, _LANES))
                    o_vmem.at[*slc][...] = (
                        x_vmem.at[*slc][...] + pos_vmem.at[*slc][...]
                    )

        pltpu.emit_pipeline(
            body,
            grid=(n_seq_blocks, B),
            in_specs=[
                pl.BlockSpec((_ROWS, D), index_map=lambda s, b: (b * n_seq_blocks + s, 0)),
                pl.BlockSpec((_ROWS, D), index_map=lambda s, b: (s, 0)),
            ],
            out_specs=[
                pl.BlockSpec((_ROWS, D), index_map=lambda s, b: (b * n_seq_blocks + s, 0)),
            ],
            core_axis_name=("core", "subcore"),
            dimension_semantics=(pltpu.PARALLEL, pltpu.ARBITRARY),
        )(x_hbm, pos_hbm, o_hbm)

    return sc_kernel(xf, pos).reshape(B, S, D)

# --- scband reference (transcript-rebuilt; emitter-appended) ---
"""Pipeline reference for scband-learnable-positional-encoding-67164698574903 (READ-ONLY COPY).

The authoritative reference and input builder live on the scoring server;
editing this copy changes nothing except your own understanding.
"""

import jax, jax.numpy as jnp
import numpy as np

MAX_LEN = 4096
D_MODEL = 1024
BATCH = 4
SEQ = 4096

def setup_inputs(seed: int = 0) -> dict:
    key = jax.random.key(seed)
    k1, k2 = jax.random.split(key)
    x = jax.random.normal(k1, (BATCH, SEQ, D_MODEL), dtype=jnp.float32)
    pos_table = jax.random.normal(k2, (MAX_LEN, D_MODEL), dtype=jnp.float32) * 0.02
    return {"x": x, "pos_table": pos_table}

def reference(x, pos_table):
    S = x.shape[1]
    positions = jnp.arange(0, S)[None, :]  # [1, S]
    pos_emb = jnp.take(pos_table, positions, axis=0)  # [1, S, d_model]
    return x + pos_emb

if __name__ == "__main__":
    import jax
    _d = setup_inputs()
    print(jax.jit(kernel)(*tuple(_d.values())))

</pallas_src>

<mosaic_0001>
#map = affine_map<(d0, d1) -> (0, 0)>
module attributes {stable_mosaic.version = 14 : i64} {
  func.func @sc_kernel(%arg0: i32, %arg1: i32, %arg2: memref<16384x1024xf32, #tpu.memory_space<hbm>>, %arg3: memref<4096x1024xf32, #tpu.memory_space<hbm>>, %arg4: memref<16384x1024xf32, #tpu.memory_space<hbm>>) attributes {dimension_semantics = [#tpu.dimension_semantics<core_parallel>, #tpu.dimension_semantics<subcore_parallel>], iteration_bounds = array<i64: 2, 16>, scalar_prefetch = 0 : i64, scratch_operands = 0 : i64, tpu.core_type = #tpu.core_type<sc_vector_subcore>, window_params = [{transform_indices = #map}, {transform_indices = #map}, {transform_indices = #map}]} {
    %mul3A = arith.constant 1 : i32
    %mul3A_0 = arith.muli %arg1, %mul3A : i32
    %add3A = arith.constant 0 : i32
    %add3A_1 = arith.addi %add3A, %mul3A_0 : i32
    %mul3A_2 = arith.constant 16 : i32
    %mul3A_3 = arith.muli %arg0, %mul3A_2 : i32
    %add3A_4 = arith.addi %add3A_1, %mul3A_3 : i32
    %mul3A_5 = arith.constant 8 : i32
    %mul3A_6 = arith.muli %add3A_4, %mul3A_5 : i32
    "tpu.region"() ({
      %run_scoped3A = memref.alloca() : memref<2x16x1024xf32, #tpu.memory_space<vmem>>
      %run_scoped3A_7 = tpu.sem_alloc : memref<2x!tpu.dma_semaphore, #tpu.memory_space<semaphore_mem>>
      %run_scoped3A_8 = memref.alloca() : memref<2x16x1024xf32, #tpu.memory_space<vmem>>
      %run_scoped3A_9 = tpu.sem_alloc : memref<2x!tpu.dma_semaphore, #tpu.memory_space<semaphore_mem>>
      %run_scoped3A_10 = memref.alloca() : memref<2x16x1024xf32, #tpu.memory_space<vmem>>
      %run_scoped3A_11 = tpu.sem_alloc : memref<2x!tpu.dma_semaphore, #tpu.memory_space<semaphore_mem>>
      %add3A_12 = arith.constant 0 : i32
      %add3A_13 = arith.addi %add3A_12, %mul3A_6 : i32
      %select_n3A = arith.constant true
      %select_n3A_14 = arith.constant 0 : i32
      %select_n3A_15 = arith.constant -1 : i32
      %select_n3A_16 = arith.select %select_n3A, %select_n3A_15, %select_n3A_14 : i32
      %eq3A = arith.constant -1 : i32
      %eq3A_17 = arith.cmpi eq, %select_n3A_16, %eq3A : i32
      %select_n3A_18 = arith.constant 3 : i32
      %select_n3A_19 = arith.select %eq3A_17, %select_n3A_18, %select_n3A_16 : i32
      %select_n3A_20 = arith.constant 0 : i32
      %select_n3A_21 = arith.constant -1 : i32
      %select_n3A_22 = arith.select %eq3A_17, %select_n3A_21, %select_n3A_20 : i32
      %eq3A_23 = arith.constant -1 : i32
      %eq3A_24 = arith.cmpi eq, %select_n3A_22, %eq3A_23 : i32
      %select_n3A_25 = arith.constant 7 : i32
      %select_n3A_26 = arith.select %eq3A_24, %select_n3A_25, %select_n3A_22 : i32
      %add3A_27 = arith.addi %select_n3A_26, %mul3A_6 : i32
      %add3A_28 = arith.constant 0 : i32
      %add3A_29 = arith.addi %select_n3A_19, %add3A_28 : i32
      %select_n3A_30 = arith.constant true
      %select_n3A_31 = arith.constant 0 : i32
      %select_n3A_32 = arith.constant 1 : i32
      %select_n3A_33 = arith.select %select_n3A_30, %select_n3A_32, %select_n3A_31 : i32
      %eq3A_34 = arith.constant 4 : i32
      %eq3A_35 = arith.cmpi eq, %select_n3A_33, %eq3A_34 : i32
      %select_n3A_36 = arith.constant 0 : i32
      %select_n3A_37 = arith.select %eq3A_35, %select_n3A_36, %select_n3A_33 : i32
      %select_n3A_38 = arith.constant 0 : i32
      %select_n3A_39 = arith.constant 1 : i32
      %select_n3A_40 = arith.select %eq3A_35, %select_n3A_39, %select_n3A_38 : i32
      %eq3A_41 = arith.constant 8 : i32
      %eq3A_42 = arith.cmpi eq, %select_n3A_40, %eq3A_41 : i32
      %select_n3A_43 = arith.constant 0 : i32
      %select_n3A_44 = arith.select %eq3A_42, %select_n3A_43, %select_n3A_40 : i32
      %add3A_45 = arith.addi %select_n3A_44, %mul3A_6 : i32
      %add3A_46 = arith.constant 0 : i32
      %add3A_47 = arith.addi %select_n3A_37, %add3A_46 : i32
      %add3A_48 = arith.constant 1 : i32
      %add3A_49 = arith.addi %select_n3A_37, %add3A_48 : i32
      %select_n3A_50 = arith.constant true
      %select_n3A_51 = arith.select %select_n3A_50, %add3A_49, %select_n3A_37 : i32
      %eq3A_52 = arith.constant 4 : i32
      %eq3A_53 = arith.cmpi eq, %select_n3A_51, %eq3A_52 : i32
      %select_n3A_54 = arith.constant 0 : i32
      %select_n3A_55 = arith.select %eq3A_53, %select_n3A_54, %select_n3A_51 : i32
      %add3A_56 = arith.constant 1 : i32
      %add3A_57 = arith.addi %select_n3A_44, %add3A_56 : i32
      %select_n3A_58 = arith.select %eq3A_53, %add3A_57, %select_n3A_44 : i32
      %eq3A_59 = arith.constant 8 : i32
      %eq3A_60 = arith.cmpi eq, %select_n3A_58, %eq3A_59 : i32
      %select_n3A_61 = arith.constant 0 : i32
      %select_n3A_62 = arith.select %eq3A_60, %select_n3A_61, %select_n3A_58 : i32
      %add3A_63 = arith.addi %select_n3A_62, %mul3A_6 : i32
      %add3A_64 = arith.constant 0 : i32
      %add3A_65 = arith.addi %select_n3A_55, %add3A_64 : i32
      "tpu.trace_start"() <{level = 10 : i32, message = "ep_initialize_0"}> : () -> ()
      %rem3A = arith.constant 0 : i32
      %rem3A_66 = arith.constant 2 : i32
      %rem3A_67 = arith.remui %rem3A, %rem3A_66 : i32
      %add3A_68 = arith.constant 0 : i32
      %add3A_69 = arith.addi %add3A_68, %add3A_13 : i32
      %mul3A_70 = arith.constant 16 : i32
      %mul3A_71 = arith.muli %mul3A_70, %add3A_69 : i32
      %dma_start3A = arith.constant 0 : i32
      %dma_start3A_72 = arith.constant 0 : i32
      %dma_start3A_73 = tpu.memref_slice %run_scoped3A[%rem3A_67, %dma_start3A, %dma_start3A_72] : memref<2x16x1024xf32, #tpu.memory_space<vmem>> -> memref<1x16x1024xf32, #tpu.memory_space<vmem>>
      %dma_start3A_74 = tpu.memref_squeeze %dma_start3A_73 : memref<1x16x1024xf32, #tpu.memory_space<vmem>> -> memref<16x1024xf32, #tpu.memory_space<vmem>>
      %dma_start3A_75 = arith.constant 0 : i32
      %dma_start3A_76 = tpu.memref_slice %arg2[%mul3A_71, %dma_start3A_75] : memref<16384x1024xf32, #tpu.memory_space<hbm>> -> memref<16x1024xf32, #tpu.memory_space<hbm>>
      %dma_start3A_77 = tpu.memref_slice %run_scoped3A_7[%rem3A_67] : memref<2x!tpu.dma_semaphore, #tpu.memory_space<semaphore_mem>> -> memref<1x!tpu.dma_semaphore, #tpu.memory_space<semaphore_mem>>
      %dma_start3A_78 = tpu.memref_squeeze %dma_start3A_77 : memref<1x!tpu.dma_semaphore, #tpu.memory_space<semaphore_mem>> -> memref<!tpu.dma_semaphore, #tpu.memory_space<semaphore_mem>>
      %dma_start3A_79 = arith.constant 0 : i32
      %dma_start3A_80 = arith.constant 0 : i32
      %dma_start3A_81 = tpu.memref_slice %run_scoped3A[%rem3A_67, %dma_start3A_79, %dma_start3A_80] : memref<2x16x1024xf32, #tpu.memory_space<vmem>> -> memref<1x16x1024xf32, #tpu.memory_space<vmem>>
      %dma_start3A_82 = tpu.memref_squeeze %dma_start3A_81 : memref<1x16x1024xf32, #tpu.memory_space<vmem>> -> memref<16x1024xf32, #tpu.memory_space<vmem>>
      %dma_start3A_83 = arith.constant 0 : i32
      %dma_start3A_84 = tpu.memref_slice %arg2[%mul3A_71, %dma_start3A_83] : memref<16384x1024xf32, #tpu.memory_space<hbm>> -> memref<16x1024xf32, #tpu.memory_space<hbm>>
      tpu.enqueue_dma source(%dma_start3A_84 : memref<16x1024xf32, #tpu.memory_space<hbm>>) target(%dma_start3A_82 : memref<16x1024xf32, #tpu.memory_space<vmem>>) target_semaphore(%dma_start3A_78 : memref<!tpu.dma_semaphore, #tpu.memory_space<semaphore_mem>>)
      %add3A_85 = arith.constant 0 : i32
      %add3A_86 = arith.constant 1 : i32
      %add3A_87 = arith.addi %add3A_85, %add3A_86 : i32
      %select_n3A_88 = arith.constant true
      %select_n3A_89 = arith.constant 0 : i32
      %select_n3A_90 = arith.select %select_n3A_88, %add3A_87, %select_n3A_89 : i32
      %rem3A_91 = arith.constant 0 : i32
      %rem3A_92 = arith.constant 2 : i32
      %rem3A_93 = arith.remui %rem3A_91, %rem3A_92 : i32
      %mul3A_94 = arith.constant 16 : i32
      %mul3A_95 = arith.muli %mul3A_94, %add3A_13 : i32
      %dma_start3A_96 = arith.constant 0 : i32
      %dma_start3A_97 = arith.constant 0 : i32
      %dma_start3A_98 = tpu.memref_slice %run_scoped3A_8[%rem3A_93, %dma_start3A_96, %dma_start3A_97] : memref<2x16x1024xf32, #tpu.memory_space<vmem>> -> memref<1x16x1024xf32, #tpu.memory_space<vmem>>
      %dma_start3A_99 = tpu.memref_squeeze %dma_start3A_98 : memref<1x16x1024xf32, #tpu.memory_space<vmem>> -> memref<16x1024xf32, #tpu.memory_space<vmem>>
      %dma_start3A_100 = arith.constant 0 : i32
      %dma_start3A_101 = tpu.memref_slice %arg3[%mul3A_95, %dma_start3A_100] : memref<4096x1024xf32, #tpu.memory_space<hbm>> -> memref<16x1024xf32, #tpu.memory_space<hbm>>
      %dma_start3A_102 = tpu.memref_slice %run_scoped3A_9[%rem3A_93] : memref<2x!tpu.dma_semaphore, #tpu.memory_space<semaphore_mem>> -> memref<1x!tpu.dma_semaphore, #tpu.memory_space<semaphore_mem>>
      %dma_start3A_103 = tpu.memref_squeeze %dma_start3A_102 : memref<1x!tpu.dma_semaphore, #tpu.memory_space<semaphore_mem>> -> memref<!tpu.dma_semaphore, #tpu.memory_space<semaphore_mem>>
      %dma_start3A_104 = arith.constant 0 : i32
      %dma_start3A_105 = arith.constant 0 : i32
      %dma_start3A_106 = tpu.memref_slice %run_scoped3A_8[%rem3A_93, %dma_start3A_104, %dma_start3A_105] : memref<2x16x1024xf32, #tpu.memory_space<vmem>> -> memref<1x16x1024xf32, #tpu.memory_space<vmem>>
      %dma_start3A_107 = tpu.memref_squeeze %dma_start3A_106 : memref<1x16x1024xf32, #tpu.memory_space<vmem>> -> memref<16x1024xf32, #tpu.memory_space<vmem>>
      %dma_start3A_108 = arith.constant 0 : i32
      %dma_start3A_109 = tpu.memref_slice %arg3[%mul3A_95, %dma_start3A_108] : memref<4096x1024xf32, #tpu.memory_space<hbm>> -> memref<16x1024xf32, #tpu.memory_space<hbm>>
      tpu.enqueue_dma source(%dma_start3A_109 : memref<16x1024xf32, #tpu.memory_space<hbm>>) target(%dma_start3A_107 : memref<16x1024xf32, #tpu.memory_space<vmem>>) target_semaphore(%dma_start3A_103 : memref<!tpu.dma_semaphore, #tpu.memory_space<semaphore_mem>>)
      %add3A_110 = arith.constant 0 : i32
      %add3A_111 = arith.constant 1 : i32
      %add3A_112 = arith.addi %add3A_110, %add3A_111 : i32
      %select_n3A_113 = arith.constant true
      %select_n3A_114 = arith.constant 0 : i32
      %select_n3A_115 = arith.select %select_n3A_113, %add3A_112, %select_n3A_114 : i32
      "tpu.trace_stop"() : () -> ()
      %scan3A = arith.constant 0 : i32
      %scan3A_116 = arith.constant 0 : i32
      %scan3A_117 = arith.constant 0 : i32
      %scan3A_118 = arith.constant 0 : i32
      %scan3A_119 = arith.constant 0 : i32
      %scan3A_120 = arith.constant 0 : i32
      %scan3A_121 = arith.constant 0 : i32
      %scan3A_122 = arith.constant 32 : i32
      %scan3A_123 = arith.addi %scan3A_121, %scan3A_122 : i32
      %scan3A_124 = arith.constant 1 : i32
      %scan3A_125:8 = scf.for %scan3A_218 = %scan3A_121 to %scan3A_123 step %scan3A_124 iter_args(%scan3A_219 = %select_n3A_90, %scan3A_220 = %scan3A, %scan3A_221 = %select_n3A_115, %scan3A_222 = %scan3A_116, %scan3A_223 = %scan3A_117, %scan3A_224 = %scan3A_118, %scan3A_225 = %scan3A_119, %scan3A_226 = %scan3A_120) -> (i32, i32, i32, i32, i32, i32, i32, i32)  : i32 {
        %eq3A_227 = arith.constant 0 : i32
        %eq3A_228 = arith.cmpi eq, %scan3A_218, %eq3A_227 : i32
        %eq3A_229 = arith.constant 31 : i32
        %eq3A_230 = arith.cmpi eq, %scan3A_218, %eq3A_229 : i32
        %add3A_231 = arith.addi %scan3A_225, %mul3A_6 : i32
        %add3A_232 = arith.constant 0 : i32
        %add3A_233 = arith.addi %scan3A_226, %add3A_232 : i32
        %sub3A_234 = arith.constant 1 : i32
        %sub3A_235 = arith.subi %scan3A_226, %sub3A_234 : i32
        %select_n3A_236 = arith.constant true
        %select_n3A_237 = arith.select %select_n3A_236, %sub3A_235, %scan3A_226 : i32
        %eq3A_238 = arith.constant -1 : i32
        %eq3A_239 = arith.cmpi eq, %select_n3A_237, %eq3A_238 : i32
        %select_n3A_240 = arith.constant 3 : i32
        %select_n3A_241 = arith.select %eq3A_239, %select_n3A_240, %select_n3A_237 : i32
        %sub3A_242 = arith.constant 1 : i32
        %sub3A_243 = arith.subi %scan3A_225, %sub3A_242 : i32
        %select_n3A_244 = arith.select %eq3A_239, %sub3A_243, %scan3A_225 : i32
        %eq3A_245 = arith.constant -1 : i32
        %eq3A_246 = arith.cmpi eq, %select_n3A_244, %eq3A_245 : i32
        %select_n3A_247 = arith.constant 7 : i32
        %select_n3A_248 = arith.select %eq3A_246, %select_n3A_247, %select_n3A_244 : i32
        %add3A_249 = arith.addi %select_n3A_248, %mul3A_6 : i32
        %add3A_250 = arith.constant 0 : i32
        %add3A_251 = arith.addi %select_n3A_241, %add3A_250 : i32
        %add3A_252 = arith.constant 1 : i32
        %add3A_253 = arith.addi %scan3A_226, %add3A_252 : i32
        %select_n3A_254 = arith.constant true
        %select_n3A_255 = arith.select %select_n3A_254, %add3A_253, %scan3A_226 : i32
        %eq3A_256 = arith.constant 4 : i32
        %eq3A_257 = arith.cmpi eq, %select_n3A_255, %eq3A_256 : i32
        %select_n3A_258 = arith.constant 0 : i32
        %select_n3A_259 = arith.select %eq3A_257, %select_n3A_258, %select_n3A_255 : i32
        %add3A_260 = arith.constant 1 : i32
        %add3A_261 = arith.addi %scan3A_225, %add3A_260 : i32
        %select_n3A_262 = arith.select %eq3A_257, %add3A_261, %scan3A_225 : i32
        %eq3A_263 = arith.constant 8 : i32
        %eq3A_264 = arith.cmpi eq, %select_n3A_262, %eq3A_263 : i32
        %select_n3A_265 = arith.constant 0 : i32
        %select_n3A_266 = arith.select %eq3A_264, %select_n3A_265, %select_n3A_262 : i32
        %add3A_267 = arith.addi %select_n3A_266, %mul3A_6 : i32
        %add3A_268 = arith.constant 0 : i32
        %add3A_269 = arith.addi %select_n3A_259, %add3A_268 : i32
        %add3A_270 = arith.constant 1 : i32
        %add3A_271 = arith.addi %select_n3A_259, %add3A_270 : i32
        %select_n3A_272 = arith.constant true
        %select_n3A_273 = arith.select %select_n3A_272, %add3A_271, %select_n3A_259 : i32
        %eq3A_274 = arith.constant 4 : i32
        %eq3A_275 = arith.cmpi eq, %select_n3A_273, %eq3A_274 : i32
        %select_n3A_276 = arith.constant 0 : i32
        %select_n3A_277 = arith.select %eq3A_275, %select_n3A_276, %select_n3A_273 : i32
        %add3A_278 = arith.constant 1 : i32
        %add3A_279 = arith.addi %select_n3A_266, %add3A_278 : i32
        %select_n3A_280 = arith.select %eq3A_275, %add3A_279, %select_n3A_266 : i32
        %eq3A_281 = arith.constant 8 : i32
        %eq3A_282 = arith.cmpi eq, %select_n3A_280, %eq3A_281 : i32
        %select_n3A_283 = arith.constant 0 : i32
        %select_n3A_284 = arith.select %eq3A_282, %select_n3A_283, %select_n3A_280 : i32
        %add3A_285 = arith.addi %select_n3A_284, %mul3A_6 : i32
        %add3A_286 = arith.constant 0 : i32
        %add3A_287 = arith.addi %select_n3A_277, %add3A_286 : i32
        %mul3A_288 = arith.constant 256 : i32
        %mul3A_289 = arith.muli %add3A_233, %mul3A_288 : i32
        %add3A_290 = arith.addi %mul3A_289, %add3A_231 : i32
        %mul3A_291 = arith.constant 256 : i32
        %mul3A_292 = arith.muli %add3A_269, %mul3A_291 : i32
        %add3A_293 = arith.addi %mul3A_292, %add3A_267 : i32
        %ne3A = arith.cmpi ne, %add3A_290, %add3A_293 : i32
        %or3A = arith.constant false
        %or3A_294 = arith.ori %or3A, %ne3A : i1
        %or3A_295 = arith.constant false
        %or3A_296 = arith.ori %or3A_294, %or3A_295 : i1
        %ge3A = arith.constant 31 : i32
        %ge3A_297 = arith.cmpi sge, %scan3A_218, %ge3A : i32
        %not3A = arith.constant true
        %not3A_298 = arith.xori %ge3A_297, %not3A : i1
        %and3A = arith.andi %or3A_296, %not3A_298 : i1
        %convert_element_type3A = arith.extui %and3A : i1 to i32
        %cond3A = arith.constant 0 : i32
        %cond3A_299 = arith.cmpi ne, %convert_element_type3A, %cond3A : i32
        scf.if %cond3A_299 {
          "tpu.trace_start"() <{level = 10 : i32, message = "ep_copy_in"}> : () -> ()
          %rem3A_530 = arith.constant 2 : i32
          %rem3A_531 = arith.remui %scan3A_219, %rem3A_530 : i32
          %mul3A_532 = arith.constant 256 : i32
          %mul3A_533 = arith.muli %add3A_269, %mul3A_532 : i32
          %add3A_534 = arith.addi %mul3A_533, %add3A_267 : i32
          %mul3A_535 = arith.constant 16 : i32
          %mul3A_536 = arith.muli %mul3A_535, %add3A_534 : i32
          %dma_start3A_537 = arith.constant 0 : i32
          %dma_start3A_538 = arith.constant 0 : i32
          %dma_start3A_539 = tpu.memref_slice %run_scoped3A[%rem3A_531, %dma_start3A_537, %dma_start3A_538] : memref<2x16x1024xf32, #tpu.memory_space<vmem>> -> memref<1x16x1024xf32, #tpu.memory_space<vmem>>
          %dma_start3A_540 = tpu.memref_squeeze %dma_start3A_539 : memref<1x16x1024xf32, #tpu.memory_space<vmem>> -> memref<16x1024xf32, #tpu.memory_space<vmem>>
          %dma_start3A_541 = arith.constant 0 : i32
          %dma_start3A_542 = tpu.memref_slice %arg2[%mul3A_536, %dma_start3A_541] : memref<16384x1024xf32, #tpu.memory_space<hbm>> -> memref<16x1024xf32, #tpu.memory_space<hbm>>
          %dma_start3A_543 = tpu.memref_slice %run_scoped3A_7[%rem3A_531] : memref<2x!tpu.dma_semaphore, #tpu.memory_space<semaphore_mem>> -> memref<1x!tpu.dma_semaphore, #tpu.memory_space<semaphore_mem>>
          %dma_start3A_544 = tpu.memref_squeeze %dma_start3A_543 : memref<1x!tpu.dma_semaphore, #tpu.memory_space<semaphore_mem>> -> memref<!tpu.dma_semaphore, #tpu.memory_space<semaphore_mem>>
          %dma_start3A_545 = arith.constant 0 : i32
          %dma_start3A_546 = arith.constant 0 : i32
          %dma_start3A_547 = tpu.memref_slice %run_scoped3A[%rem3A_531, %dma_start3A_545, %dma_start3A_546] : memref<2x16x1024xf32, #tpu.memory_space<vmem>> -> memref<1x16x1024xf32, #tpu.memory_space<vmem>>
          %dma_start3A_548 = tpu.memref_squeeze %dma_start3A_547 : memref<1x16x1024xf32, #tpu.memory_space<vmem>> -> memref<16x1024xf32, #tpu.memory_space<vmem>>
          %dma_start3A_549 = arith.constant 0 : i32
          %dma_start3A_550 = tpu.memref_slice %arg2[%mul3A_536, %dma_start3A_549] : memref<16384x1024xf32, #tpu.memory_space<hbm>> -> memref<16x1024xf32, #tpu.memory_space<hbm>>
          tpu.enqueue_dma source(%dma_start3A_550 : memref<16x1024xf32, #tpu.memory_space<hbm>>) target(%dma_start3A_548 : memref<16x1024xf32, #tpu.memory_space<vmem>>) target_semaphore(%dma_start3A_544 : memref<!tpu.dma_semaphore, #tpu.memory_space<semaphore_mem>>)
          "tpu.trace_stop"() : () -> ()
        } else {
        }
        %and3A_300 = arith.constant true
        %and3A_301 = arith.andi %and3A, %and3A_300 : i1
        %add3A_302 = arith.constant 1 : i32
        %add3A_303 = arith.addi %scan3A_219, %add3A_302 : i32
        %select_n3A_304 = arith.select %and3A_301, %add3A_303, %scan3A_219 : i32
        %ne3A_305 = arith.cmpi ne, %add3A_231, %add3A_267 : i32
        %or3A_306 = arith.constant false
        %or3A_307 = arith.ori %or3A_306, %ne3A_305 : i1
        %or3A_308 = arith.constant false
        %or3A_309 = arith.ori %or3A_307, %or3A_308 : i1
        %ge3A_310 = arith.constant 31 : i32
        %ge3A_311 = arith.cmpi sge, %scan3A_218, %ge3A_310 : i32
        %not3A_312 = arith.constant true
        %not3A_313 = arith.xori %ge3A_311, %not3A_312 : i1
        %and3A_314 = arith.andi %or3A_309, %not3A_313 : i1
        %convert_element_type3A_315 = arith.extui %and3A_314 : i1 to i32
        %cond3A_316 = arith.constant 0 : i32
        %cond3A_317 = arith.cmpi ne, %convert_element_type3A_315, %cond3A_316 : i32
        scf.if %cond3A_317 {
          "tpu.trace_start"() <{level = 10 : i32, message = "ep_copy_in"}> : () -> ()
          %rem3A_530 = arith.constant 2 : i32
          %rem3A_531 = arith.remui %scan3A_221, %rem3A_530 : i32
          %mul3A_532 = arith.constant 16 : i32
          %mul3A_533 = arith.muli %mul3A_532, %add3A_267 : i32
          %dma_start3A_534 = arith.constant 0 : i32
          %dma_start3A_535 = arith.constant 0 : i32
          %dma_start3A_536 = tpu.memref_slice %run_scoped3A_8[%rem3A_531, %dma_start3A_534, %dma_start3A_535] : memref<2x16x1024xf32, #tpu.memory_space<vmem>> -> memref<1x16x1024xf32, #tpu.memory_space<vmem>>
          %dma_start3A_537 = tpu.memref_squeeze %dma_start3A_536 : memref<1x16x1024xf32, #tpu.memory_space<vmem>> -> memref<16x1024xf32, #tpu.memory_space<vmem>>
          %dma_start3A_538 = arith.constant 0 : i32
          %dma_start3A_539 = tpu.memref_slice %arg3[%mul3A_533, %dma_start3A_538] : memref<4096x1024xf32, #tpu.memory_space<hbm>> -> memref<16x1024xf32, #tpu.memory_space<hbm>>
          %dma_start3A_540 = tpu.memref_slice %run_scoped3A_9[%rem3A_531] : memref<2x!tpu.dma_semaphore, #tpu.memory_space<semaphore_mem>> -> memref<1x!tpu.dma_semaphore, #tpu.memory_space<semaphore_mem>>
          %dma_start3A_541 = tpu.memref_squeeze %dma_start3A_540 : memref<1x!tpu.dma_semaphore, #tpu.memory_space<semaphore_mem>> -> memref<!tpu.dma_semaphore, #tpu.memory_space<semaphore_mem>>
          %dma_start3A_542 = arith.constant 0 : i32
          %dma_start3A_543 = arith.constant 0 : i32
          %dma_start3A_544 = tpu.memref_slice %run_scoped3A_8[%rem3A_531, %dma_start3A_542, %dma_start3A_543] : memref<2x16x1024xf32, #tpu.memory_space<vmem>> -> memref<1x16x1024xf32, #tpu.memory_space<vmem>>
          %dma_start3A_545 = tpu.memref_squeeze %dma_start3A_544 : memref<1x16x1024xf32, #tpu.memory_space<vmem>> -> memref<16x1024xf32, #tpu.memory_space<vmem>>
          %dma_start3A_546 = arith.constant 0 : i32
          %dma_start3A_547 = tpu.memref_slice %arg3[%mul3A_533, %dma_start3A_546] : memref<4096x1024xf32, #tpu.memory_space<hbm>> -> memref<16x1024xf32, #tpu.memory_space<hbm>>
          tpu.enqueue_dma source(%dma_start3A_547 : memref<16x1024xf32, #tpu.memory_space<hbm>>) target(%dma_start3A_545 : memref<16x1024xf32, #tpu.memory_space<vmem>>) target_semaphore(%dma_start3A_541 : memref<!tpu.dma_semaphore, #tpu.memory_space<semaphore_mem>>)
          "tpu.trace_stop"() : () -> ()
        } else {
        }
        %and3A_318 = arith.constant true
        %and3A_319 = arith.andi %and3A_314, %and3A_318 : i1
        %add3A_320 = arith.constant 1 : i32
        %add3A_321 = arith.addi %scan3A_221, %add3A_320 : i32
        %select_n3A_322 = arith.select %and3A_319, %add3A_321, %scan3A_221 : i32
        %mul3A_323 = arith.constant 256 : i32
        %mul3A_324 = arith.muli %add3A_233, %mul3A_323 : i32
        %add3A_325 = arith.addi %mul3A_324, %add3A_231 : i32
        %mul3A_326 = arith.constant 256 : i32
        %mul3A_327 = arith.muli %add3A_269, %mul3A_326 : i32
        %add3A_328 = arith.addi %mul3A_327, %add3A_267 : i32
        %ne3A_329 = arith.cmpi ne, %add3A_325, %add3A_328 : i32
        %or3A_330 = arith.constant false
        %or3A_331 = arith.ori %or3A_330, %ne3A_329 : i1
        %or3A_332 = arith.constant false
        %or3A_333 = arith.ori %or3A_331, %or3A_332 : i1
        %ge3A_334 = arith.constant 31 : i32
        %ge3A_335 = arith.cmpi sge, %scan3A_218, %ge3A_334 : i32
        %not3A_336 = arith.constant true
        %not3A_337 = arith.xori %ge3A_335, %not3A_336 : i1
        %and3A_338 = arith.andi %or3A_333, %not3A_337 : i1
        %mul3A_339 = arith.constant 256 : i32
        %mul3A_340 = arith.muli %add3A_233, %mul3A_339 : i32
        %add3A_341 = arith.addi %mul3A_340, %add3A_231 : i32
        %mul3A_342 = arith.constant 256 : i32
        %mul3A_343 = arith.muli %add3A_251, %mul3A_342 : i32
        %add3A_344 = arith.addi %mul3A_343, %add3A_249 : i32
        %ne3A_345 = arith.cmpi ne, %add3A_341, %add3A_344 : i32
        %or3A_346 = arith.constant false
        %or3A_347 = arith.ori %or3A_346, %ne3A_345 : i1
        %or3A_348 = arith.constant false
        %or3A_349 = arith.ori %or3A_347, %or3A_348 : i1
        %or3A_350 = arith.ori %or3A_349, %eq3A_228 : i1
        %convert_element_type3A_351 = arith.extui %or3A_350 : i1 to i32
        %cond3A_352 = arith.constant 0 : i32
        %cond3A_353 = arith.cmpi ne, %convert_element_type3A_351, %cond3A_352 : i32
        scf.if %cond3A_353 {
          "tpu.trace_start"() <{level = 10 : i32, message = "ep_wait_in"}> : () -> ()
          %mul3A_530 = arith.constant 256 : i32
          %mul3A_531 = arith.muli %add3A_233, %mul3A_530 : i32
          %add3A_532 = arith.addi %mul3A_531, %add3A_231 : i32
          %mul3A_533 = arith.constant 16 : i32
          %mul3A_534 = arith.muli %mul3A_533, %add3A_532 : i32
          %rem3A_535 = arith.constant 2 : i32
          %rem3A_536 = arith.remui %scan3A_220, %rem3A_535 : i32
          %dma_wait3A_537 = arith.constant 0 : i32
          %dma_wait3A_538 = arith.constant 0 : i32
          %dma_wait3A_539 = tpu.memref_slice %run_scoped3A[%rem3A_536, %dma_wait3A_537, %dma_wait3A_538] : memref<2x16x1024xf32, #tpu.memory_space<vmem>> -> memref<1x16x1024xf32, #tpu.memory_space<vmem>>
          %dma_wait3A_540 = tpu.memref_squeeze %dma_wait3A_539 : memref<1x16x1024xf32, #tpu.memory_space<vmem>> -> memref<16x1024xf32, #tpu.memory_space<vmem>>
          %dma_wait3A_541 = arith.constant 0 : i32
          %dma_wait3A_542 = tpu.memref_slice %arg2[%mul3A_534, %dma_wait3A_541] : memref<16384x1024xf32, #tpu.memory_space<hbm>> -> memref<16x1024xf32, #tpu.memory_space<hbm>>
          %dma_wait3A_543 = tpu.memref_slice %run_scoped3A_7[%rem3A_536] : memref<2x!tpu.dma_semaphore, #tpu.memory_space<semaphore_mem>> -> memref<1x!tpu.dma_semaphore, #tpu.memory_space<semaphore_mem>>
          %dma_wait3A_544 = tpu.memref_squeeze %dma_wait3A_543 : memref<1x!tpu.dma_semaphore, #tpu.memory_space<semaphore_mem>> -> memref<!tpu.dma_semaphore, #tpu.memory_space<semaphore_mem>>
          %dma_wait3A_545 = arith.constant 0 : i32
          %dma_wait3A_546 = arith.constant 0 : i32
          %dma_wait3A_547 = tpu.memref_slice %run_scoped3A[%rem3A_536, %dma_wait3A_545, %dma_wait3A_546] : memref<2x16x1024xf32, #tpu.memory_space<vmem>> -> memref<1x16x1024xf32, #tpu.memory_space<vmem>>
          %dma_wait3A_548 = tpu.memref_squeeze %dma_wait3A_547 : memref<1x16x1024xf32, #tpu.memory_space<vmem>> -> memref<16x1024xf32, #tpu.memory_space<vmem>>
          %dma_wait3A_549 = arith.constant 0 : i32
          %dma_wait3A_550 = tpu.memref_slice %arg2[%mul3A_534, %dma_wait3A_549] : memref<16384x1024xf32, #tpu.memory_space<hbm>> -> memref<16x1024xf32, #tpu.memory_space<hbm>>
          tpu.wait_dma2 semaphore(%dma_wait3A_544 : memref<!tpu.dma_semaphore, #tpu.memory_space<semaphore_mem>>) src(%dma_wait3A_550 : memref<16x1024xf32, #tpu.memory_space<hbm>>) dst(%dma_wait3A_548 : memref<16x1024xf32, #tpu.memory_space<vmem>>)
          "tpu.trace_stop"() : () -> ()
        } else {
        }
        %ne3A_354 = arith.cmpi ne, %add3A_231, %add3A_249 : i32
        %or3A_355 = arith.constant false
        %or3A_356 = arith.ori %or3A_355, %ne3A_354 : i1
        %or3A_357 = arith.constant false
        %or3A_358 = arith.ori %or3A_356, %or3A_357 : i1
        %or3A_359 = arith.ori %or3A_358, %eq3A_228 : i1
        %convert_element_type3A_360 = arith.extui %or3A_359 : i1 to i32
        %cond3A_361 = arith.constant 0 : i32
        %cond3A_362 = arith.cmpi ne, %convert_element_type3A_360, %cond3A_361 : i32
        scf.if %cond3A_362 {
          "tpu.trace_start"() <{level = 10 : i32, message = "ep_wait_in"}> : () -> ()
          %mul3A_530 = arith.constant 16 : i32
          %mul3A_531 = arith.muli %mul3A_530, %add3A_231 : i32
          %rem3A_532 = arith.constant 2 : i32
          %rem3A_533 = arith.remui %scan3A_222, %rem3A_532 : i32
          %dma_wait3A_534 = arith.constant 0 : i32
          %dma_wait3A_535 = arith.constant 0 : i32
          %dma_wait3A_536 = tpu.memref_slice %run_scoped3A_8[%rem3A_533, %dma_wait3A_534, %dma_wait3A_535] : memref<2x16x1024xf32, #tpu.memory_space<vmem>> -> memref<1x16x1024xf32, #tpu.memory_space<vmem>>
          %dma_wait3A_537 = tpu.memref_squeeze %dma_wait3A_536 : memref<1x16x1024xf32, #tpu.memory_space<vmem>> -> memref<16x1024xf32, #tpu.memory_space<vmem>>
          %dma_wait3A_538 = arith.constant 0 : i32
          %dma_wait3A_539 = tpu.memref_slice %arg3[%mul3A_531, %dma_wait3A_538] : memref<4096x1024xf32, #tpu.memory_space<hbm>> -> memref<16x1024xf32, #tpu.memory_space<hbm>>
          %dma_wait3A_540 = tpu.memref_slice %run_scoped3A_9[%rem3A_533] : memref<2x!tpu.dma_semaphore, #tpu.memory_space<semaphore_mem>> -> memref<1x!tpu.dma_semaphore, #tpu.memory_space<semaphore_mem>>
          %dma_wait3A_541 = tpu.memref_squeeze %dma_wait3A_540 : memref<1x!tpu.dma_semaphore, #tpu.memory_space<semaphore_mem>> -> memref<!tpu.dma_semaphore, #tpu.memory_space<semaphore_mem>>
          %dma_wait3A_542 = arith.constant 0 : i32
          %dma_wait3A_543 = arith.constant 0 : i32
          %dma_wait3A_544 = tpu.memref_slice %run_scoped3A_8[%rem3A_533, %dma_wait3A_542, %dma_wait3A_543] : memref<2x16x1024xf32, #tpu.memory_space<vmem>> -> memref<1x16x1024xf32, #tpu.memory_space<vmem>>
          %dma_wait3A_545 = tpu.memref_squeeze %dma_wait3A_544 : memref<1x16x1024xf32, #tpu.memory_space<vmem>> -> memref<16x1024xf32, #tpu.memory_space<vmem>>
          %dma_wait3A_546 = arith.constant 0 : i32
          %dma_wait3A_547 = tpu.memref_slice %arg3[%mul3A_531, %dma_wait3A_546] : memref<4096x1024xf32, #tpu.memory_space<hbm>> -> memref<16x1024xf32, #tpu.memory_space<hbm>>
          tpu.wait_dma2 semaphore(%dma_wait3A_541 : memref<!tpu.dma_semaphore, #tpu.memory_space<semaphore_mem>>) src(%dma_wait3A_547 : memref<16x1024xf32, #tpu.memory_space<hbm>>) dst(%dma_wait3A_545 : memref<16x1024xf32, #tpu.memory_space<vmem>>)
          "tpu.trace_stop"() : () -> ()
        } else {
        }
        %mul3A_363 = arith.constant 256 : i32
        %mul3A_364 = arith.muli %add3A_233, %mul3A_363 : i32
        %add3A_365 = arith.addi %mul3A_364, %add3A_231 : i32
        %mul3A_366 = arith.constant 256 : i32
        %mul3A_367 = arith.muli %add3A_251, %mul3A_366 : i32
        %add3A_368 = arith.addi %mul3A_367, %add3A_249 : i32
        %ne3A_369 = arith.cmpi ne, %add3A_365, %add3A_368 : i32
        %or3A_370 = arith.constant false
        %or3A_371 = arith.ori %or3A_370, %ne3A_369 : i1
        %or3A_372 = arith.constant false
        %or3A_373 = arith.ori %or3A_371, %or3A_372 : i1
        %or3A_374 = arith.ori %or3A_373, %eq3A_228 : i1
        %convert_element_type3A_375 = arith.extui %or3A_374 : i1 to i32
        %cond3A_376 = arith.constant 0 : i32
        %cond3A_377 = arith.cmpi ne, %convert_element_type3A_375, %cond3A_376 : i32
        scf.if %cond3A_377 {
        } else {
        }
        %rem3A_378 = arith.constant 2 : i32
        %rem3A_379 = arith.remui %scan3A_220, %rem3A_378 : i32
        %rem3A_380 = arith.constant 2 : i32
        %rem3A_381 = arith.remui %scan3A_222, %rem3A_380 : i32
        %rem3A_382 = arith.constant 2 : i32
        %rem3A_383 = arith.remui %scan3A_223, %rem3A_382 : i32
        "tpu.trace_start"() <{level = 10 : i32, message = "ep_run_kernel"}> : () -> ()
        %scan3A_384 = arith.constant 0 : i32
        %scan3A_385 = arith.constant 16 : i32
        %scan3A_386 = arith.addi %scan3A_384, %scan3A_385 : i32
        %scan3A_387 = arith.constant 1 : i32
        scf.for %scan3A_530 = %scan3A_384 to %scan3A_386 step %scan3A_387  : i32 {
          %mul3A_531 = arith.constant 1 : i32
          %mul3A_532 = arith.muli %scan3A_530, %mul3A_531 : i32
          %add3A_533 = arith.constant 0 : i32
          %add3A_534 = arith.addi %add3A_533, %mul3A_532 : i32
          %scan3A_535 = arith.constant 0 : i32
          %scan3A_536 = arith.constant 64 : i32
          %scan3A_537 = arith.addi %scan3A_535, %scan3A_536 : i32
          %scan3A_538 = arith.constant 1 : i32
          scf.for %scan3A_540 = %scan3A_535 to %scan3A_537 step %scan3A_538  : i32 {
            %mul3A_541 = arith.constant 16 : i32
            %mul3A_542 = arith.muli %scan3A_540, %mul3A_541 : i32
            %add3A_543 = arith.constant 0 : i32
            %add3A_544 = arith.addi %add3A_543, %mul3A_542 : i32
            %get3A = arith.constant 0 : i32
            %get3A_545 = arith.constant 0 : i32
            %get3A_546 = tpu.memref_slice %run_scoped3A[%rem3A_379, %get3A, %get3A_545] : memref<2x16x1024xf32, #tpu.memory_space<vmem>> -> memref<1x16x1024xf32, #tpu.memory_space<vmem>>
            %get3A_547 = tpu.memref_squeeze %get3A_546 : memref<1x16x1024xf32, #tpu.memory_space<vmem>> -> memref<16x1024xf32, #tpu.memory_space<vmem>>
            %get3A_548 = arith.index_cast %add3A_534 : i32 to index
            %get3A_549 = arith.index_cast %add3A_544 : i32 to index
            %get3A_550 = tpu.vector_load %get3A_547[%get3A_548, %get3A_549] {strides = array<i32>} : memref<16x1024xf32, #tpu.memory_space<vmem>>, vector<1x16xf32>,
            %get3A_551 = vector.shape_cast %get3A_550 : vector<1x16xf32> to vector<1x16xf32>
            %get3A_552 = arith.constant 0 : i32
            %get3A_553 = arith.constant 0 : i32
            %get3A_554 = tpu.memref_slice %run_scoped3A_8[%rem3A_381, %get3A_552, %get3A_553] : memref<2x16x1024xf32, #tpu.memory_space<vmem>> -> memref<1x16x1024xf32, #tpu.memory_space<vmem>>
            %get3A_555 = tpu.memref_squeeze %get3A_554 : memref<1x16x1024xf32, #tpu.memory_space<vmem>> -> memref<16x1024xf32, #tpu.memory_space<vmem>>
            %get3A_556 = arith.index_cast %add3A_534 : i32 to index
            %get3A_557 = arith.index_cast %add3A_544 : i32 to index
            %get3A_558 = tpu.vector_load %get3A_555[%get3A_556, %get3A_557] {strides = array<i32>} : memref<16x1024xf32, #tpu.memory_space<vmem>>, vector<1x16xf32>,
            %get3A_559 = vector.shape_cast %get3A_558 : vector<1x16xf32> to vector<1x16xf32>
            %add3A_560 = arith.addf %get3A_551, %get3A_559 : vector<1x16xf32>
            %swap3A = arith.constant 0 : i32
            %swap3A_561 = arith.constant 0 : i32
            %swap3A_562 = tpu.memref_slice %run_scoped3A_10[%rem3A_383, %swap3A, %swap3A_561] : memref<2x16x1024xf32, #tpu.memory_space<vmem>> -> memref<1x16x1024xf32, #tpu.memory_space<vmem>>
            %swap3A_563 = tpu.memref_squeeze %swap3A_562 : memref<1x16x1024xf32, #tpu.memory_space<vmem>> -> memref<16x1024xf32, #tpu.memory_space<vmem>>
            %swap3A_564 = arith.index_cast %add3A_534 : i32 to index
            %swap3A_565 = arith.index_cast %add3A_544 : i32 to index
            %swap3A_566 = tpu.vector_load %swap3A_563[%swap3A_564, %swap3A_565] {strides = array<i32>} : memref<16x1024xf32, #tpu.memory_space<vmem>>, vector<1x16xf32>,
            %swap3A_567 = vector.shape_cast %swap3A_566 : vector<1x16xf32> to vector<1x16xf32>
            %swap3A_568 = vector.shape_cast %add3A_560 : vector<1x16xf32> to vector<1x16xf32>
            tpu.vector_store %swap3A_563[%swap3A_564, %swap3A_565], %swap3A_568 {strides = array<i32>} : memref<16x1024xf32, #tpu.memory_space<vmem>>, vector<1x16xf32>,
          }
          %scan3A_539 = arith.constant 64 : i32
        }
        %scan3A_388 = arith.constant 16 : i32
        "tpu.trace_stop"() : () -> ()
        %mul3A_389 = arith.constant 256 : i32
        %mul3A_390 = arith.muli %add3A_233, %mul3A_389 : i32
        %add3A_391 = arith.addi %mul3A_390, %add3A_231 : i32
        %mul3A_392 = arith.constant 256 : i32
        %mul3A_393 = arith.muli %add3A_269, %mul3A_392 : i32
        %add3A_394 = arith.addi %mul3A_393, %add3A_267 : i32
        %ne3A_395 = arith.cmpi ne, %add3A_391, %add3A_394 : i32
        %or3A_396 = arith.constant false
        %or3A_397 = arith.ori %or3A_396, %ne3A_395 : i1
        %or3A_398 = arith.constant false
        %or3A_399 = arith.ori %or3A_397, %or3A_398 : i1
        %or3A_400 = arith.ori %or3A_399, %eq3A_230 : i1
        %convert_element_type3A_401 = arith.extui %or3A_400 : i1 to i32
        %cond3A_402 = arith.constant 0 : i32
        %cond3A_403 = arith.cmpi ne, %convert_element_type3A_401, %cond3A_402 : i32
        scf.if %cond3A_403 {
        } else {
        }
        %and3A_404 = arith.constant false
        %and3A_405 = arith.andi %or3A_400, %and3A_404 : i1
        %ne3A_406 = arith.cmpi ne, %add3A_231, %add3A_267 : i32
        %or3A_407 = arith.constant false
        %or3A_408 = arith.ori %or3A_407, %ne3A_406 : i1
        %or3A_409 = arith.constant false
        %or3A_410 = arith.ori %or3A_408, %or3A_409 : i1
        %or3A_411 = arith.ori %or3A_410, %eq3A_230 : i1
        %convert_element_type3A_412 = arith.extui %or3A_411 : i1 to i32
        %cond3A_413 = arith.constant 0 : i32
        %cond3A_414 = arith.cmpi ne, %convert_element_type3A_412, %cond3A_413 : i32
        scf.if %cond3A_414 {
        } else {
        }
        %and3A_415 = arith.constant false
        %and3A_416 = arith.andi %or3A_411, %and3A_415 : i1
        %mul3A_417 = arith.constant 256 : i32
        %mul3A_418 = arith.muli %add3A_233, %mul3A_417 : i32
        %add3A_419 = arith.addi %mul3A_418, %add3A_231 : i32
        %mul3A_420 = arith.constant 256 : i32
        %mul3A_421 = arith.muli %add3A_269, %mul3A_420 : i32
        %add3A_422 = arith.addi %mul3A_421, %add3A_267 : i32
        %ne3A_423 = arith.cmpi ne, %add3A_419, %add3A_422 : i32
        %or3A_424 = arith.constant false
        %or3A_425 = arith.ori %or3A_424, %ne3A_423 : i1
        %or3A_426 = arith.constant false
        %or3A_427 = arith.ori %or3A_425, %or3A_426 : i1
        %or3A_428 = arith.ori %or3A_427, %eq3A_230 : i1
        %convert_element_type3A_429 = arith.extui %or3A_428 : i1 to i32
        %cond3A_430 = arith.constant 0 : i32
        %cond3A_431 = arith.cmpi ne, %convert_element_type3A_429, %cond3A_430 : i32
        scf.if %cond3A_431 {
          "tpu.trace_start"() <{level = 10 : i32, message = "ep_copy_out"}> : () -> ()
          %rem3A_530 = arith.constant 2 : i32
          %rem3A_531 = arith.remui %scan3A_223, %rem3A_530 : i32
          %mul3A_532 = arith.constant 256 : i32
          %mul3A_533 = arith.muli %add3A_233, %mul3A_532 : i32
          %add3A_534 = arith.addi %mul3A_533, %add3A_231 : i32
          %mul3A_535 = arith.constant 16 : i32
          %mul3A_536 = arith.muli %mul3A_535, %add3A_534 : i32
          %dma_start3A_537 = arith.constant 0 : i32
          %dma_start3A_538 = arith.constant 0 : i32
          %dma_start3A_539 = tpu.memref_slice %run_scoped3A_10[%rem3A_531, %dma_start3A_537, %dma_start3A_538] : memref<2x16x1024xf32, #tpu.memory_space<vmem>> -> memref<1x16x1024xf32, #tpu.memory_space<vmem>>
          %dma_start3A_540 = tpu.memref_squeeze %dma_start3A_539 : memref<1x16x1024xf32, #tpu.memory_space<vmem>> -> memref<16x1024xf32, #tpu.memory_space<vmem>>
          %dma_start3A_541 = arith.constant 0 : i32
          %dma_start3A_542 = tpu.memref_slice %arg4[%mul3A_536, %dma_start3A_541] : memref<16384x1024xf32, #tpu.memory_space<hbm>> -> memref<16x1024xf32, #tpu.memory_space<hbm>>
          %dma_start3A_543 = tpu.memref_slice %run_scoped3A_11[%rem3A_531] : memref<2x!tpu.dma_semaphore, #tpu.memory_space<semaphore_mem>> -> memref<1x!tpu.dma_semaphore, #tpu.memory_space<semaphore_mem>>
          %dma_start3A_544 = tpu.memref_squeeze %dma_start3A_543 : memref<1x!tpu.dma_semaphore, #tpu.memory_space<semaphore_mem>> -> memref<!tpu.dma_semaphore, #tpu.memory_space<semaphore_mem>>
          %dma_start3A_545 = arith.constant 0 : i32
          %dma_start3A_546 = tpu.memref_slice %arg4[%mul3A_536, %dma_start3A_545] : memref<16384x1024xf32, #tpu.memory_space<hbm>> -> memref<16x1024xf32, #tpu.memory_space<hbm>>
          %dma_start3A_547 = arith.constant 0 : i32
          %dma_start3A_548 = arith.constant 0 : i32
          %dma_start3A_549 = tpu.memref_slice %run_scoped3A_10[%rem3A_531, %dma_start3A_547, %dma_start3A_548] : memref<2x16x1024xf32, #tpu.memory_space<vmem>> -> memref<1x16x1024xf32, #tpu.memory_space<vmem>>
          %dma_start3A_550 = tpu.memref_squeeze %dma_start3A_549 : memref<1x16x1024xf32, #tpu.memory_space<vmem>> -> memref<16x1024xf32, #tpu.memory_space<vmem>>
          tpu.enqueue_dma source(%dma_start3A_550 : memref<16x1024xf32, #tpu.memory_space<vmem>>) target(%dma_start3A_546 : memref<16x1024xf32, #tpu.memory_space<hbm>>) target_semaphore(%dma_start3A_544 : memref<!tpu.dma_semaphore, #tpu.memory_space<semaphore_mem>>)
          "tpu.trace_stop"() : () -> ()
        } else {
        }
        %and3A_432 = arith.constant true
        %and3A_433 = arith.andi %or3A_428, %and3A_432 : i1
        %add3A_434 = arith.constant 1 : i32
        %add3A_435 = arith.addi %scan3A_223, %add3A_434 : i32
        %select_n3A_436 = arith.select %and3A_433, %add3A_435, %scan3A_223 : i32
        %mul3A_437 = arith.constant 256 : i32
        %mul3A_438 = arith.muli %add3A_233, %mul3A_437 : i32
        %add3A_439 = arith.addi %mul3A_438, %add3A_231 : i32
        %mul3A_440 = arith.constant 256 : i32
        %mul3A_441 = arith.muli %add3A_251, %mul3A_440 : i32
        %add3A_442 = arith.addi %mul3A_441, %add3A_249 : i32
        %ne3A_443 = arith.cmpi ne, %add3A_439, %add3A_442 : i32
        %or3A_444 = arith.constant false
        %or3A_445 = arith.ori %or3A_444, %ne3A_443 : i1
        %or3A_446 = arith.constant false
        %or3A_447 = arith.ori %or3A_445, %or3A_446 : i1
        %not3A_448 = arith.constant true
        %not3A_449 = arith.xori %eq3A_228, %not3A_448 : i1
        %and3A_450 = arith.andi %or3A_447, %not3A_449 : i1
        %convert_element_type3A_451 = arith.extui %and3A_450 : i1 to i32
        %cond3A_452 = arith.constant 0 : i32
        %cond3A_453 = arith.cmpi ne, %convert_element_type3A_451, %cond3A_452 : i32
        scf.if %cond3A_453 {
        } else {
        }
        %and3A_454 = arith.constant false
        %and3A_455 = arith.andi %and3A_450, %and3A_454 : i1
        %ne3A_456 = arith.cmpi ne, %add3A_231, %add3A_249 : i32
        %or3A_457 = arith.constant false
        %or3A_458 = arith.ori %or3A_457, %ne3A_456 : i1
        %or3A_459 = arith.constant false
        %or3A_460 = arith.ori %or3A_458, %or3A_459 : i1
        %not3A_461 = arith.constant true
        %not3A_462 = arith.xori %eq3A_228, %not3A_461 : i1
        %and3A_463 = arith.andi %or3A_460, %not3A_462 : i1
        %convert_element_type3A_464 = arith.extui %and3A_463 : i1 to i32
        %cond3A_465 = arith.constant 0 : i32
        %cond3A_466 = arith.cmpi ne, %convert_element_type3A_464, %cond3A_465 : i32
        scf.if %cond3A_466 {
        } else {
        }
        %and3A_467 = arith.constant false
        %and3A_468 = arith.andi %and3A_463, %and3A_467 : i1
        %mul3A_469 = arith.constant 256 : i32
        %mul3A_470 = arith.muli %add3A_233, %mul3A_469 : i32
        %add3A_471 = arith.addi %mul3A_470, %add3A_231 : i32
        %mul3A_472 = arith.constant 256 : i32
        %mul3A_473 = arith.muli %add3A_251, %mul3A_472 : i32
        %add3A_474 = arith.addi %mul3A_473, %add3A_249 : i32
        %ne3A_475 = arith.cmpi ne, %add3A_471, %add3A_474 : i32
        %or3A_476 = arith.constant false
        %or3A_477 = arith.ori %or3A_476, %ne3A_475 : i1
        %or3A_478 = arith.constant false
        %or3A_479 = arith.ori %or3A_477, %or3A_478 : i1
        %not3A_480 = arith.constant true
        %not3A_481 = arith.xori %eq3A_228, %not3A_480 : i1
        %and3A_482 = arith.andi %or3A_479, %not3A_481 : i1
        %convert_element_type3A_483 = arith.extui %and3A_482 : i1 to i32
        %cond3A_484 = arith.constant 0 : i32
        %cond3A_485 = arith.cmpi ne, %convert_element_type3A_483, %cond3A_484 : i32
        scf.if %cond3A_485 {
          "tpu.trace_start"() <{level = 10 : i32, message = "ep_wait_out"}> : () -> ()
          %rem3A_530 = arith.constant 2 : i32
          %rem3A_531 = arith.remui %scan3A_224, %rem3A_530 : i32
          %mul3A_532 = arith.constant 256 : i32
          %mul3A_533 = arith.muli %add3A_251, %mul3A_532 : i32
          %add3A_534 = arith.addi %mul3A_533, %add3A_249 : i32
          %mul3A_535 = arith.constant 16 : i32
          %mul3A_536 = arith.muli %mul3A_535, %add3A_534 : i32
          %dma_wait3A_537 = arith.constant 0 : i32
          %dma_wait3A_538 = arith.constant 0 : i32
          %dma_wait3A_539 = tpu.memref_slice %run_scoped3A_10[%rem3A_531, %dma_wait3A_537, %dma_wait3A_538] : memref<2x16x1024xf32, #tpu.memory_space<vmem>> -> memref<1x16x1024xf32, #tpu.memory_space<vmem>>
          %dma_wait3A_540 = tpu.memref_squeeze %dma_wait3A_539 : memref<1x16x1024xf32, #tpu.memory_space<vmem>> -> memref<16x1024xf32, #tpu.memory_space<vmem>>
          %dma_wait3A_541 = arith.constant 0 : i32
          %dma_wait3A_542 = tpu.memref_slice %arg4[%mul3A_536, %dma_wait3A_541] : memref<16384x1024xf32, #tpu.memory_space<hbm>> -> memref<16x1024xf32, #tpu.memory_space<hbm>>
          %dma_wait3A_543 = tpu.memref_slice %run_scoped3A_11[%rem3A_531] : memref<2x!tpu.dma_semaphore, #tpu.memory_space<semaphore_mem>> -> memref<1x!tpu.dma_semaphore, #tpu.memory_space<semaphore_mem>>
          %dma_wait3A_544 = tpu.memref_squeeze %dma_wait3A_543 : memref<1x!tpu.dma_semaphore, #tpu.memory_space<semaphore_mem>> -> memref<!tpu.dma_semaphore, #tpu.memory_space<semaphore_mem>>
          %dma_wait3A_545 = arith.constant 0 : i32
          %dma_wait3A_546 = tpu.memref_slice %arg4[%mul3A_536, %dma_wait3A_545] : memref<16384x1024xf32, #tpu.memory_space<hbm>> -> memref<16x1024xf32, #tpu.memory_space<hbm>>
          %dma_wait3A_547 = arith.constant 0 : i32
          %dma_wait3A_548 = arith.constant 0 : i32
          %dma_wait3A_549 = tpu.memref_slice %run_scoped3A_10[%rem3A_531, %dma_wait3A_547, %dma_wait3A_548] : memref<2x16x1024xf32, #tpu.memory_space<vmem>> -> memref<1x16x1024xf32, #tpu.memory_space<vmem>>
          %dma_wait3A_550 = tpu.memref_squeeze %dma_wait3A_549 : memref<1x16x1024xf32, #tpu.memory_space<vmem>> -> memref<16x1024xf32, #tpu.memory_space<vmem>>
          tpu.wait_dma2 semaphore(%dma_wait3A_544 : memref<!tpu.dma_semaphore, #tpu.memory_space<semaphore_mem>>) src(%dma_wait3A_550 : memref<16x1024xf32, #tpu.memory_space<vmem>>) dst(%dma_wait3A_546 : memref<16x1024xf32, #tpu.memory_space<hbm>>)
          "tpu.trace_stop"() : () -> ()
        } else {
        }
        %and3A_486 = arith.constant true
        %and3A_487 = arith.andi %and3A_482, %and3A_486 : i1
        %add3A_488 = arith.constant 1 : i32
        %add3A_489 = arith.addi %scan3A_224, %add3A_488 : i32
        %select_n3A_490 = arith.select %and3A_487, %add3A_489, %scan3A_224 : i32
        %mul3A_491 = arith.constant 256 : i32
        %mul3A_492 = arith.muli %add3A_233, %mul3A_491 : i32
        %add3A_493 = arith.addi %mul3A_492, %add3A_231 : i32
        %mul3A_494 = arith.constant 256 : i32
        %mul3A_495 = arith.muli %add3A_269, %mul3A_494 : i32
        %add3A_496 = arith.addi %mul3A_495, %add3A_267 : i32
        %ne3A_497 = arith.cmpi ne, %add3A_493, %add3A_496 : i32
        %or3A_498 = arith.constant false
        %or3A_499 = arith.ori %or3A_498, %ne3A_497 : i1
        %or3A_500 = arith.constant false
        %or3A_501 = arith.ori %or3A_499, %or3A_500 : i1
        %or3A_502 = arith.ori %or3A_501, %eq3A_230 : i1
        %add3A_503 = arith.constant 1 : i32
        %add3A_504 = arith.addi %scan3A_220, %add3A_503 : i32
        %select_n3A_505 = arith.select %or3A_502, %add3A_504, %scan3A_220 : i32
        %ne3A_506 = arith.cmpi ne, %add3A_231, %add3A_267 : i32
        %or3A_507 = arith.constant false
        %or3A_508 = arith.ori %or3A_507, %ne3A_506 : i1
        %or3A_509 = arith.constant false
        %or3A_510 = arith.ori %or3A_508, %or3A_509 : i1
        %or3A_511 = arith.ori %or3A_510, %eq3A_230 : i1
        %add3A_512 = arith.constant 1 : i32
        %add3A_513 = arith.addi %scan3A_222, %add3A_512 : i32
        %select_n3A_514 = arith.select %or3A_511, %add3A_513, %scan3A_222 : i32
        %add3A_515 = arith.constant 1 : i32
        %add3A_516 = arith.addi %scan3A_226, %add3A_515 : i32
        %select_n3A_517 = arith.constant true
        %select_n3A_518 = arith.select %select_n3A_517, %add3A_516, %scan3A_226 : i32
        %eq3A_519 = arith.constant 4 : i32
        %eq3A_520 = arith.cmpi eq, %select_n3A_518, %eq3A_519 : i32
        %select_n3A_521 = arith.constant 0 : i32
        %select_n3A_522 = arith.select %eq3A_520, %select_n3A_521, %select_n3A_518 : i32
        %add3A_523 = arith.constant 1 : i32
        %add3A_524 = arith.addi %scan3A_225, %add3A_523 : i32
        %select_n3A_525 = arith.select %eq3A_520, %add3A_524, %scan3A_225 : i32
        %eq3A_526 = arith.constant 8 : i32
        %eq3A_527 = arith.cmpi eq, %select_n3A_525, %eq3A_526 : i32
        %select_n3A_528 = arith.constant 0 : i32
        %select_n3A_529 = arith.select %eq3A_527, %select_n3A_528, %select_n3A_525 : i32
        scf.yield %select_n3A_304, %select_n3A_505, %select_n3A_322, %select_n3A_514, %select_n3A_436, %select_n3A_490, %select_n3A_529, %select_n3A_522 : i32, i32, i32, i32, i32, i32, i32, i32
      }
      %scan3A_126 = arith.constant 32 : i32
      %sub3A = arith.constant 1 : i32
      %sub3A_127 = arith.subi %scan3A_125#7, %sub3A : i32
      %select_n3A_128 = arith.constant true
      %select_n3A_129 = arith.select %select_n3A_128, %sub3A_127, %scan3A_125#7 : i32
      %eq3A_130 = arith.constant -1 : i32
      %eq3A_131 = arith.cmpi eq, %select_n3A_129, %eq3A_130 : i32
      %select_n3A_132 = arith.constant 3 : i32
      %select_n3A_133 = arith.select %eq3A_131, %select_n3A_132, %select_n3A_129 : i32
      %sub3A_134 = arith.constant 1 : i32
      %sub3A_135 = arith.subi %scan3A_125#6, %sub3A_134 : i32
      %select_n3A_136 = arith.select %eq3A_131, %sub3A_135, %scan3A_125#6 : i32
      %eq3A_137 = arith.constant -1 : i32
      %eq3A_138 = arith.cmpi eq, %select_n3A_136, %eq3A_137 : i32
      %select_n3A_139 = arith.constant 7 : i32
      %select_n3A_140 = arith.select %eq3A_138, %select_n3A_139, %select_n3A_136 : i32
      %add3A_141 = arith.addi %select_n3A_140, %mul3A_6 : i32
      %add3A_142 = arith.constant 0 : i32
      %add3A_143 = arith.addi %select_n3A_133, %add3A_142 : i32
      %sub3A_144 = arith.constant 1 : i32
      %sub3A_145 = arith.subi %select_n3A_133, %sub3A_144 : i32
      %select_n3A_146 = arith.constant true
      %select_n3A_147 = arith.select %select_n3A_146, %sub3A_145, %select_n3A_133 : i32
      %eq3A_148 = arith.constant -1 : i32
      %eq3A_149 = arith.cmpi eq, %select_n3A_147, %eq3A_148 : i32
      %select_n3A_150 = arith.constant 3 : i32
      %select_n3A_151 = arith.select %eq3A_149, %select_n3A_150, %select_n3A_147 : i32
      %sub3A_152 = arith.constant 1 : i32
      %sub3A_153 = arith.subi %select_n3A_140, %sub3A_152 : i32
      %select_n3A_154 = arith.select %eq3A_149, %sub3A_153, %select_n3A_140 : i32
      %eq3A_155 = arith.constant -1 : i32
      %eq3A_156 = arith.cmpi eq, %select_n3A_154, %eq3A_155 : i32
      %select_n3A_157 = arith.constant 7 : i32
      %select_n3A_158 = arith.select %eq3A_156, %select_n3A_157, %select_n3A_154 : i32
      %add3A_159 = arith.addi %select_n3A_158, %mul3A_6 : i32
      %add3A_160 = arith.constant 0 : i32
      %add3A_161 = arith.addi %select_n3A_151, %add3A_160 : i32
      %add3A_162 = arith.constant 1 : i32
      %add3A_163 = arith.addi %select_n3A_133, %add3A_162 : i32
      %select_n3A_164 = arith.constant true
      %select_n3A_165 = arith.select %select_n3A_164, %add3A_163, %select_n3A_133 : i32
      %eq3A_166 = arith.constant 4 : i32
      %eq3A_167 = arith.cmpi eq, %select_n3A_165, %eq3A_166 : i32
      %select_n3A_168 = arith.constant 0 : i32
      %select_n3A_169 = arith.select %eq3A_167, %select_n3A_168, %select_n3A_165 : i32
      %add3A_170 = arith.constant 1 : i32
      %add3A_171 = arith.addi %select_n3A_140, %add3A_170 : i32
      %select_n3A_172 = arith.select %eq3A_167, %add3A_171, %select_n3A_140 : i32
      %eq3A_173 = arith.constant 8 : i32
      %eq3A_174 = arith.cmpi eq, %select_n3A_172, %eq3A_173 : i32
      %select_n3A_175 = arith.constant 0 : i32
      %select_n3A_176 = arith.select %eq3A_174, %select_n3A_175, %select_n3A_172 : i32
      %add3A_177 = arith.addi %select_n3A_176, %mul3A_6 : i32
      %add3A_178 = arith.constant 0 : i32
      %add3A_179 = arith.addi %select_n3A_169, %add3A_178 : i32
      %add3A_180 = arith.constant 1 : i32
      %add3A_181 = arith.addi %select_n3A_169, %add3A_180 : i32
      %select_n3A_182 = arith.constant true
      %select_n3A_183 = arith.select %select_n3A_182, %add3A_181, %select_n3A_169 : i32
      %eq3A_184 = arith.constant 4 : i32
      %eq3A_185 = arith.cmpi eq, %select_n3A_183, %eq3A_184 : i32
      %select_n3A_186 = arith.constant 0 : i32
      %select_n3A_187 = arith.select %eq3A_185, %select_n3A_186, %select_n3A_183 : i32
      %add3A_188 = arith.constant 1 : i32
      %add3A_189 = arith.addi %select_n3A_176, %add3A_188 : i32
      %select_n3A_190 = arith.select %eq3A_185, %add3A_189, %select_n3A_176 : i32
      %eq3A_191 = arith.constant 8 : i32
      %eq3A_192 = arith.cmpi eq, %select_n3A_190, %eq3A_191 : i32
      %select_n3A_193 = arith.constant 0 : i32
      %select_n3A_194 = arith.select %eq3A_192, %select_n3A_193, %select_n3A_190 : i32
      %add3A_195 = arith.addi %select_n3A_194, %mul3A_6 : i32
      %add3A_196 = arith.constant 0 : i32
      %add3A_197 = arith.addi %select_n3A_187, %add3A_196 : i32
      "tpu.trace_start"() <{level = 10 : i32, message = "ep_finalize"}> : () -> ()
      %rem3A_198 = arith.constant 2 : i32
      %rem3A_199 = arith.remui %scan3A_125#5, %rem3A_198 : i32
      %mul3A_200 = arith.constant 256 : i32
      %mul3A_201 = arith.muli %add3A_143, %mul3A_200 : i32
      %add3A_202 = arith.addi %mul3A_201, %add3A_141 : i32
      %mul3A_203 = arith.constant 16 : i32
      %mul3A_204 = arith.muli %mul3A_203, %add3A_202 : i32
      %dma_wait3A = arith.constant 0 : i32
      %dma_wait3A_205 = arith.constant 0 : i32
      %dma_wait3A_206 = tpu.memref_slice %run_scoped3A_10[%rem3A_199, %dma_wait3A, %dma_wait3A_205] : memref<2x16x1024xf32, #tpu.memory_space<vmem>> -> memref<1x16x1024xf32, #tpu.memory_space<vmem>>
      %dma_wait3A_207 = tpu.memref_squeeze %dma_wait3A_206 : memref<1x16x1024xf32, #tpu.memory_space<vmem>> -> memref<16x1024xf32, #tpu.memory_space<vmem>>
      %dma_wait3A_208 = arith.constant 0 : i32
      %dma_wait3A_209 = tpu.memref_slice %arg4[%mul3A_204, %dma_wait3A_208] : memref<16384x1024xf32, #tpu.memory_space<hbm>> -> memref<16x1024xf32, #tpu.memory_space<hbm>>
      %dma_wait3A_210 = tpu.memref_slice %run_scoped3A_11[%rem3A_199] : memref<2x!tpu.dma_semaphore, #tpu.memory_space<semaphore_mem>> -> memref<1x!tpu.dma_semaphore, #tpu.memory_space<semaphore_mem>>
      %dma_wait3A_211 = tpu.memref_squeeze %dma_wait3A_210 : memref<1x!tpu.dma_semaphore, #tpu.memory_space<semaphore_mem>> -> memref<!tpu.dma_semaphore, #tpu.memory_space<semaphore_mem>>
      %dma_wait3A_212 = arith.constant 0 : i32
      %dma_wait3A_213 = tpu.memref_slice %arg4[%mul3A_204, %dma_wait3A_212] : memref<16384x1024xf32, #tpu.memory_space<hbm>> -> memref<16x1024xf32, #tpu.memory_space<hbm>>
      %dma_wait3A_214 = arith.constant 0 : i32
      %dma_wait3A_215 = arith.constant 0 : i32
      %dma_wait3A_216 = tpu.memref_slice %run_scoped3A_10[%rem3A_199, %dma_wait3A_214, %dma_wait3A_215] : memref<2x16x1024xf32, #tpu.memory_space<vmem>> -> memref<1x16x1024xf32, #tpu.memory_space<vmem>>
      %dma_wait3A_217 = tpu.memref_squeeze %dma_wait3A_216 : memref<1x16x1024xf32, #tpu.memory_space<vmem>> -> memref<16x1024xf32, #tpu.memory_space<vmem>>
      tpu.wait_dma2 semaphore(%dma_wait3A_211 : memref<!tpu.dma_semaphore, #tpu.memory_space<semaphore_mem>>) src(%dma_wait3A_217 : memref<16x1024xf32, #tpu.memory_space<vmem>>) dst(%dma_wait3A_213 : memref<16x1024xf32, #tpu.memory_space<hbm>>)
      "tpu.trace_stop"() : () -> ()
      tpu.yield
    }) : () -> ()
    return
  }
}

</mosaic_0001>

<sc_bundles>
// kernel: kernel.3.cloned.1.call-start
scs
__scs_entry_jumppad:
0x0: {  	(pc) =	sbr.rel $0x88, $3  }
0x1: {  	(tag) =	ssettag $0x0;
	lr =	simm.s32 $0x1  }
0x2: {  	[smem:$0x3F9F] =	sst lr;
	_ =	strace $0xD0000000  }
0x3: {  	_ = 	snop  }
0x4: {  	_ = 	snop  }
0x5: {  	_ = 	snop  }
0x6: {  	_ = 	snop  }
0x7: {  	_ = 	snop  }
__scs_overlays_trampoline_lowered:
0x8: {  	[smem:$0x3FAE] =	sst s0  }
0x9: {  	[smem:$0x3FAF] =	sst s1  }
0xa: {  	[smem:$0x3FB0] =	sst s2  }
0xb: {  	[smem:$0x3FB1] =	sst s3  }
0xc: {  	[smem:$0x3FB2] =	sst s4  }
0xd: {  	[smem:$0x3FB3] =	sst s5  }
0xe: {  	[smem:$0x3FB4] =	sst s6  }
0xf: {  	[smem:$0x3FB5] =	sst s7  }
0x10: {  	[smem:$0x3FB6] =	sst s8  }
0x11: {  	[smem:$0x3FB7] =	sst s9;
	s0 =	simm.s32 @!p0 $0x0  }
0x12: {  	s1 =	sld [smem:$0x3F9D];
	s0 =	simm.s32 @p0 $0x1  }
0x13: {  	[smem:$0x3FB8] =	sst s0;
	s0 =	simm.s32 @!p1 $0x0  }
0x14: {  	s2 =	sld [smem:$0x3F9C];
	s0 =	simm.s32 @p1 $0x1  }
0x15: {  	[smem:$0x3FB9] =	sst s0;
	s0 =	simm.s32 @!p2 $0x0  }
0x16: {  	s3 =	sld [smem:$0x3FDB];
	s0 =	simm.s32 @p2 $0x1  }
0x17: {  	s4 =	simm.s32 $0x1BF5;
	[smem:$0x3FBB] =	sst s0  }
0x18: {  	s0 =	sld [smem:$0x3F9E];
	_ =	swait.ge [sflag:s4], $0x0  }
0x19: {  	s7 =	sld [smem:$0x3F9F]  }
0x1a: {  	s8 =	sadd.s32 $0xFFFFE003, lr  }
0x1b: {  	s9 =	sadd.s32 $0xFFFFFEF7, lr;
	s5 =	simm.s32 $0xFFFFFFFF;
	p2 =	slt.u32 s8, $0xFFFFF086  }
0x1c: {  	p1 =	slt.u32 s9, $0xF7A;
	s5 =	simm.s32 @!p2 $0x0  }
0x1d: {  	s5 =	simm.s32 @p1 $0x1;
	p0 =	seq.s32 s7, s2  }
0x1e: {  	s7 =	smul.u32 @!p0 $0xF7A, s2;
	p2 =	seq.s32 @!p0 s5, $0x0  }
0x1f: {  	s9 =	smul.u32 $0xF7A, s1;
	s8 =	simm.s32 @!p0 $0x1BF5;
	p2 =	por !p2, p0  }
0x20: {  	[sflag:s8] =	ssyncset.s32 @!p0 $0xFFFFF086;
	s6 =	sadd.s32 @!p0 s3, s7;
	s7 =	simm.s32 @!p0 $0x108  }
0x21: {  	s3 =	sadd.s32 s3, s9;
	s6 =	sadd.s32 @!p0 $0x88, s6;
	s7 =	simm.s32 @p2 $0x1082  }
0x22: {  	[simem:s7], [sflag:s8] =	dma.local @!p0 [hbm:s6], $0xF7A  }
0x23: {  	s9 =	sor.u32 $0xD0000000, s2;
	s6 =	simm.s32 $0x108;
	_ =	swait.ge @!p0 [sflag:s8], $0x0  }
0x24: {  	s3 =	sadd.s32 $0x88, s3;
	s6 =	simm.s32 @!p1 $0x1082;
	[sflag:s4] =	ssyncset.s32 $0xFFFFF086  }
0x25: {  	[simem:s6], [sflag:s4] =	dma.local [hbm:s3], $0xF7A  }
0x26: {  	[smem:$0x3F9F] =	sst s1;
	(tag) =	ssettag s2;
	_ =	strace s9  }
0x27: {  	s1 =	sld [smem:$0x3FAF]  }
0x28: {  	s2 =	sld [smem:$0x3FB0]  }
0x29: {  	s4 =	sld [smem:$0x3FB2]  }
0x2a: {  	p0 =	seq.s32 s5, $0x0;
	s5 =	sld [smem:$0x3FB3]  }
0x2b: {  	s6 =	sld [smem:$0x3FB4]  }
0x2c: {  	s7 =	sld [smem:$0x3FB5]  }
0x2d: {  	s3 =	simm.s32 $0x108;
	s8 =	sld [smem:$0x3FB6]  }
0x2e: {  	s3 =	simm.s32 @!p0 $0x1082;
	s9 =	sld [smem:$0x3FB7]  }
0x2f: {  	lr =	sadd.s32 s0, s3;
	s0 =	sld [smem:$0x3FAE]  }
0x30: {  	s3 =	sld [smem:$0x3FB1]  }
0x31: {  	[smem:$0x3FBA] =	sst s10  }
0x32: {  	s10 =	sld [smem:$0x3FB8];
	_ =	sdelay $0x3  }
0x33: {  	p0 =	seq.s32 s10, $0x1;
	s10 =	sld [smem:$0x3FBA];
	_ =	sdelay $0x3  }
0x34: {  	[smem:$0x3FBA] =	sst s10  }
0x35: {  	s10 =	sld [smem:$0x3FB9];
	_ =	sdelay $0x3  }
0x36: {  	p1 =	seq.s32 s10, $0x1;
	s10 =	sld [smem:$0x3FBA];
	_ =	sdelay $0x3  }
0x37: {  	[smem:$0x3FBA] =	sst s10  }
0x38: {  	s10 =	sld [smem:$0x3FBB]  }
0x39: {  	_ = 	snop;
	(pc) =	sbr.ind lr, $3  }
0x3a: {  	_ = 	snop  }
0x3b: {  	_ = 	snop  }
0x3c: {  	p2 =	seq.s32 s10, $0x1;
	s10 =	sld [smem:$0x3FBA]  }
0x3d: {  	_ =	shalt  }
0x3e: {  	_ =	shalt  }
0x3f: {  	_ =	shalt  }
0x40: {  	_ =	shalt  }
0x41: {  	_ =	shalt  }
0x42: {  	_ =	shalt  }
0x43: {  	_ =	shalt  }
0x44: {  	_ =	shalt  }
0x45: {  	_ =	shalt  }
0x46: {  	_ =	shalt  }
0x47: {  	_ =	shalt  }
0x48: {  	_ =	shalt  }
0x49: {  	_ =	shalt  }
0x4a: {  	_ =	shalt  }
0x4b: {  	_ =	shalt  }
0x4c: {  	_ =	shalt  }
0x4d: {  	_ =	shalt  }
0x4e: {  	_ =	shalt  }
0x4f: {  	_ =	shalt  }
0x50: {  	_ =	shalt  }
0x51: {  	_ =	shalt  }
0x52: {  	_ =	shalt  }
0x53: {  	_ =	shalt  }
0x54: {  	_ =	shalt  }
0x55: {  	_ =	shalt  }
0x56: {  	_ =	shalt  }
0x57: {  	_ =	shalt  }
0x58: {  	_ =	shalt  }
0x59: {  	_ =	shalt  }
0x5a: {  	_ =	shalt  }
0x5b: {  	_ =	shalt  }
0x5c: {  	_ =	shalt  }
0x5d: {  	_ =	shalt  }
0x5e: {  	_ =	shalt  }
0x5f: {  	_ =	shalt  }
0x60: {  	_ =	shalt  }
0x61: {  	_ =	shalt  }
0x62: {  	_ =	shalt  }
0x63: {  	_ =	shalt  }
0x64: {  	_ =	shalt  }
0x65: {  	_ =	shalt  }
0x66: {  	_ =	shalt  }
0x67: {  	_ =	shalt  }
0x68: {  	_ =	shalt  }
0x69: {  	_ =	shalt  }
0x6a: {  	_ =	shalt  }
0x6b: {  	_ =	shalt  }
0x6c: {  	_ =	shalt  }
0x6d: {  	_ =	shalt  }
0x6e: {  	_ =	shalt  }
0x6f: {  	_ =	shalt  }
0x70: {  	_ =	shalt  }
0x71: {  	_ =	shalt  }
0x72: {  	_ =	shalt  }
0x73: {  	_ =	shalt  }
0x74: {  	_ =	shalt  }
0x75: {  	_ =	shalt  }
0x76: {  	_ =	shalt  }
0x77: {  	_ =	shalt  }
0x78: {  	_ =	shalt  }
0x79: {  	_ =	shalt  }
0x7a: {  	_ =	shalt  }
0x7b: {  	_ =	shalt  }
0x7c: {  	_ =	shalt  }
0x7d: {  	_ =	shalt  }
0x7e: {  	_ =	shalt  }
0x7f: {  	_ =	shalt  }
0x80: {  	_ =	shalt  }
0x81: {  	_ =	shalt  }
0x82: {  	_ =	shalt  }
0x83: {  	_ =	shalt  }
0x84: {  	_ =	shalt  }
0x85: {  	_ =	shalt  }
0x86: {  	_ =	shalt  }
0x87: {  	_ =	shalt  }
.Lfunc_end0:
.L_simem_size_0:
called_computation_lowered:
.L_overlay_start_0:
0x88: {  	s2 =	sld [smem:$0x3FD9]  }
0x89: {  	s3 =	sld [smem:$0x3FFE];
	_ =	sdelay $0x1  }
0x8a: {  	s1 =	srdreg.scid  }
0x8b: {  	s0 =	sand.u32 $0x1, s1  }
0x8c: {  	s18 =	sshll.u32 s0, $0xA;
	s2 =	sadd.s32 s3, s2  }
0x8d: {  	s2 =	sadd.s32 s2, s18  }
0x8e: {  	[smem:$0x3FC6] =	sst s2  }
0x8f: {  	_ = 	snop  }
0x90: {  	s2 =	sld [smem:$0x3FC9]  }
0x91: {  	s19 =	sld [smem:$0x3FC8]  }
0x92: {  	s4 =	sld [smem:$0x3FD0];
	(tm) =	ssettm $0x1  }
0x93: {  	s5 =	sld [smem:$0x3FFB];
	_ =	sdelay $0x3  }
0x94: {  	_ =	strace s5  }
0x95: {  	s5 =	sld [smem:$0x3FFC];
	_ =	sdelay $0x3  }
0x96: {  	_ =	strace s5  }
0x97: {  	s5 =	sld [smem:$0x3FFD];
	_ =	sdelay $0x3  }
0x98: {  	_ =	strace s5  }
0x99: {  	_ =	strace $0x8FFFFFFF  }
0x9a: {  	s20 =	sld [smem:$0x3FDB];
	_ =	sdelay $0x1  }
0x9b: {  	s6 =	simm.s32 $_scs_section_size  }
0x9c: {  	s7 =	simm.s32 $_size__tile_overlayer_lowered;
	s8 =	simm.s32 $_tile_overlayer_lowered  }
0x9d: {  	s23 =	simm.s32 $0x1BFF;
	s22 =	sshll.u32 s8, $0x1;
	s5 =	sadd.s32 s6, s20  }
0x9e: {  	s9 =	simm.s32 $0x0;
	s21 =	sshll.u32 s7, $0x1;
	s7 =	sadd.s32 s22, s5  }
0x9f: {  	[timem:s9], [sflag:s23] =	dma.local [hbm:s7], s21  }
0xa0: {  	_ =	swait.ge [sflag:s23], s21  }
0xa1: {  	s6 =	ssub.s32 $0x0, s21;
	[sflag:s23] =	ssyncset.done $0x0  }
0xa2: {  	[sflag:s23] =	ssyncadd.s32 s6;
	_ =	sdelay $0x1  }
0xa3: {  	s24 =	simm.s32 $0x1B8B  }
0xa4: {  	_ =	swait.ge [sflag:s24], $0x1  }
0xa5: {  	[sflag:s24] =	ssyncset.done $0x0  }
0xa6: {  	s25 =	simm.s32 $0x1B8E;
	[sflag:s24] =	ssyncadd.s32 $0xFFFFFFFF  }
0xa7: {  	s26 =	simm.s32 $execute0_lowered;
	[smem:$0x3FD2] =	sst s25  }
0xa8: {  	s6 =	sshll.u32 s26, $0x1;
	_ =	strace $0x80000046;
	[dreg:$0x1] =	wrdreg $0xFFFFFFFF  }
0xa9: {  	s28 =	simm.s32 $_size_execute0_lowered;
	s5 =	sadd.s32 s5, s6;
	[dreg:$0x0] =	wrdreg $0x0  }
0xaa: {  	s6 =	sshll.u32 s28, $0x1;
	[dreg:$0x2] =	wrdreg s5  }
0xab: {  	[dreg:$0x3] =	wrdreg s6  }
0xac: {  	[dreg:$0x4] =	wrdreg $0xC0  }
0xad: {  	_ =	task [dreg:s9], $0x5FFFF  }
0xae: {  	[dreg:$0x1] =	wrdreg $0xFFFFFFFF  }
0xaf: {  	[dreg:$0x0] =	wrdreg $0x60  }
0xb0: {  	[dreg:$0x2] =	wrdreg s2  }
0xb1: {  	[dreg:$0x3] =	wrdreg s19  }
0xb2: {  	[dreg:$0x4] =	wrdreg s4  }
0xb3: {  	[dreg:$0x5] =	wrdreg $0x9  }
0xb4: {  	_ =	task.clear_ibuf [dreg:s9], $0x6FFFF;
	_ =	strace $0x90000046  }
0xb5: {  	s29 =	simm.s32 $0x9;
	_ =	strace $0x80000051  }
0xb6: {  	_ =	swait.ge [sflag:s29], $0x1  }
0xb7: {  	[sflag:s29] =	ssyncadd.s32 $0xFFFFFFFF  }
0xb8: {  	_ =	strace $0x90000051  }
0xb9: {  	_ =	sfence  }
0xba: {  	s30 =	sld [smem:$0x0];
	_ =	sdelay $0x2  }
0xbb: {  	s31 =	sshll.u32 s1, $0xD;
	s1 =	sshrl.u32 s1, $0x2  }
0xbc: {  	s3 =	sand.u32 $0x4000, s31;
	s1 =	sadd.s32 s1, s30  }
0xbd: {  	s0 =	sor.u32 s3, s0;
	s1 =	sshll.u32 s1, $0x11  }
0xbe: {  	s0 =	sor.u32 s1, s0  }
0xbf: {  	s0 =	sadd.s32 $0x8F2B, s0  }
0xc0: {  	[sflag:s0] =	ssyncadd.remote.s32 $0x1  }
0xc1: {  	_ =	sfence.sel $0xFFFF  }
0xc2: {  	[dreg:$0x0] =	wrdreg $0xFFFFFFFF;
	(pc) =	sbr.abs _section_cstart, $3  }
0xc3: {  	[dreg:$0x1] =	wrdreg $0xFFFFFFFF  }
0xc4: {  	_ =	task.clear_ibuf [dreg:s9], $0x2FFFF;
	_ =	strace $0x9FFFFFFF  }
0xc5: {  	(tm) =	ssettm $0x7FFFFFFF  }
tec
execute0_lowered:
.L_overlay_start_1:
0x0: {  	(tag) =	ssettag $0x1  }
0x1: {  	s1 =	rddreg [dreg:$0x0]  }
0x2: {  	s2 =	rddreg [dreg:$0x1]  }
0x3: {  	s3 =	rddreg [dreg:$0x2]  }
0x4: {  	s0 =	srdreg.scid;
	s5 =	simm.s32 $0x0;
	s7 =	stileid.u32  }
0x5: {  	s10 =	simm.s32 $0x8000;
	s11 =	simm.s32 $0x0;
	s0 =	sand.u32 $0x1, s0  }
0x6: {  	[smem:$0x7FF] =	sst s5;
	s4 =	ssub.s32 $0x2, s0;
	s0 =	sshll.u32 s0, $0x4  }
0x7: {  	_ =	strace $0x80000047;
	s6 =	sshrl.u32 s4, $0x1;
	s0 =	sor.u32 s7, s0  }
0x8: {  	s4 =	ssub.s32 s4, s6;
	s8 =	sshll.u32 s0, $0xE;
	s6 =	sshll.u32 s0, $0x3  }
0x9: {  	s7 =	sadd.s32 s1, s8;
	s8 =	sadd.s32 s2, s8;
	s9 =	smax.u32 s4, $0x1  }
.LBB2_1:
0xa: {  	_ =	strace $0x80000048;
	s13 =	simm.s32 $0x0  }
0xb: {  	s23 =	simm.s32 $0x0;
	s12 =	simm.s32 $0x0;
	s14 =	simm.s32 $0x0  }
0xc: {  	[tilespmem:s5], [sflag:$0x1] =	stream.linear.gather [hbm4b:s7+s5], $0x4000, $0x200038;
	[tilespmem:$0x18000] =	vst v63  }
0xd: {  	s15 =	simm.s32 $0x0;
	s16 =	simm.s32 $0x1;
	s17 =	simm.s32 $0x0  }
0xe: {  	[tilespmem:s10], [sflag:$0x3] =	stream.linear.gather [hbm4b:s8+s5], $0x4000, $0x200038;
	[tilespmem:$0x18000] =	vst v63  }
0xf: {  	s18 =	simm.s32 $0x1;
	s19 =	simm.s32 $0x0;
	_ =	strace $0x90000048  }
.LBB2_2:
0x10: {  	s0 =	smov.u32 s13;
	s13 =	sadd.s32 $0x1, s13  }
0x11: {  	s4 =	simm.s32 $0x1;
	p0 =	seq.s32 s13, $0x4  }
0x12: {  	s4 =	simm.s32 @!p0 $0x0  }
0x13: {  	s20 =	sadd.s32 s4, s23  }
0x14: {  	p1 =	seq.s32 s20, $0x8  }
0x15: {  	s28 =	sadd.s32 s6, s23;
	s13 =	simm.s32 @p0 $0x0;
	s20 =	simm.s32 @p1 $0x0  }
0x16: {  	s25 =	sshll.u32 s0, $0x8;
	s24 =	sshll.u32 s13, $0x8;
	s22 =	sadd.s32 s6, s20  }
0x17: {  	s21 =	sadd.s32 s25, s28;
	s4 =	sadd.s32 s24, s22  }
0x18: {  	p3 =	sne.s32 s19, $0x1F;
	p1 =	sne.s32 s21, s4  }
0x19: {  	p0 =	sne.s32 s23, s20;
	p6 =	por !p3, !p1  }
0x1a: {  	p4 =	seq.s32 s0, $0x0;
	p3 =	por !p3, !p0;
	p2 =	por !p6, !p6  }
0x1b: {  	s0 =	simm.s32 $0x1;
	p3 =	por !p3, !p3;
	_ =	strace @p2 $0x80000049  }
0x1c: {  	s24 =	sand.u32 @p2 $0x1, s18;
	s4 =	sshll.u32 @p2 s4, $0xB;
	s28 =	simm.s32 @p2 $0x0  }
0x1d: {  	s22 =	sshll.u32 @p3 s22, $0xB;
	s26 =	sshll.u32 @p2 s24, $0xE;
	s4 =	sand.u32 @p2 $0x1FFFF800, s4  }
0x1e: {  	s24 =	sadd.s32 @p2 $0x1, s24;
	s22 =	sand.u32 @p3 $0x1FFFF800, s22;
	s4 =	sadd.s32 @p2 s1, s4  }
0x1f: {  	[tilespmem:s26], [sflag:s24] =	stream.linear.gather @p2 [hbm4b:s4+s28], $0x4000, $0x200038;
	[tilespmem:$0x18000] =	vst v63  }
0x20: {  	s0 =	simm.s32 @!p4 $0x0;
	s22 =	sadd.s32 @p3 s2, s22;
	s4 =	sand.u32 @p3 $0x1, s16  }
0x21: {  	s26 =	simm.s32 @p3 $0x0;
	_ =	strace @p2 $0x90000049;
	s24 =	sshll.u32 @p3 s4, $0xE  }
0x22: {  	s4 =	sadd.s32 @p3 $0x3, s4;
	_ =	strace @p3 $0x8000004A;
	s24 =	sor.u32 @p3 $0x8000, s24  }
0x23: {  	[tilespmem:s24], [sflag:s4] =	stream.linear.gather @p3 [hbm4b:s22+s26], $0x4000, $0x200038;
	[tilespmem:$0x18000] =	vst v63  }
0x24: {  	s24 =	ssub.s32 s23, s0;
	s0 =	sadd.s32 $0xFFFFFF00, s25  }
0x25: {  	p5 =	seq.s32 s24, $0xFFFFFFFF;
	s0 =	simm.s32 @p4 $0x300  }
0x26: {  	s24 =	simm.s32 @p5 $0x7;
	s0 =	sor.u32 s6, s0  }
0x27: {  	p4 =	seq.s32 s19, $0x0;
	s22 =	sadd.s32 s24, s0  }
0x28: {  	p5 =	seq.s32 @!p4 s21, s22  }
0x29: {  	p5 =	por p4, !p5  }
0x2a: {  	_ =	strace @p3 $0x9000004A;
	s0 =	sand.u32 @p5 $0x1, s17  }
0x2b: {  	_ =	strace @p5 $0x8000004B;
	s0 =	sadd.s32 @p5 $0x1, s0  }
0x2c: {  	_ =	swait.ge @p5 [sflag:s0], $0x4000  }
0x2d: {  	[sflag:s0] =	ssyncset.done @p5 $0x0  }
0x2e: {  	[sflag:s0] =	ssyncadd.s32 @p5 $0xFFFFC000  }
0x2f: {  	_ =	strace @p5 $0x9000004B;
	p5 =	seq.s32 @!p4 s23, s24  }
0x30: {  	p4 =	por p4, !p5  }
0x31: {  	s0 =	sand.u32 @p4 $0x1, s15  }
0x32: {  	_ =	strace @p4 $0x8000004C;
	s0 =	sadd.s32 @p4 $0x3, s0  }
0x33: {  	_ =	swait.ge @p4 [sflag:s0], $0x4000  }
0x34: {  	s29 =	sshll.u32 s15, $0xE;
	[sflag:s0] =	ssyncset.done @p4 $0x0  }
0x35: {  	s23 =	sand.u32 $0x1, s14;
	[sflag:s0] =	ssyncadd.s32 @p4 $0xFFFFC000;
	s0 =	simm.s32 $0x1  }
0x36: {  	s4 =	simm.s32 $0x1;
	s31 =	sshll.u32 s23, $0xE;
	s0 =	simm.s32 @!p2 $0x0  }
0x37: {  	s24 =	sor.u32 $0x10000, s31;
	s18 =	sadd.s32 s0, s18;
	s0 =	sand.u32 $0x4000, s29  }
0x38: {  	s30 =	sshll.u32 s17, $0xE;
	s4 =	simm.s32 @!p3 $0x0;
	v2 =	vmov s24;
	s0 =	sor.u32 $0x8000, s0  }
0x39: {  	s16 =	sadd.s32 s4, s16;
	s4 =	sand.u32 $0x4000, s30;
	v1 =	vmov s0  }
0x3a: {  	v0 =	vmov s4  }
0x3b: {  	_ =	strace @p4 $0x9000004C  }
0x3c: {  	s25 =	simm.s32 $0x0;
	s26 =	simm.s32 $0x0;
	_ =	strace $0x8000004D  }
.LBB2_3:
0x3d: {  	s0 =	sshll.u32 s26, $0xA;
	s4 =	sshll.u32 s26, $0x7  }
0x3e: {  	s0 =	sand.u32 $0x2000, s0;
	s4 =	sand.u32 $0x380, s4  }
0x3f: {  	s28 =	sor.u32 s0, s4;
	s0 =	sand.u32 $0x1C00, s25  }
0x40: {  	s4 =	sand.u32 $0x70, s25;
	s0 =	sor.u32 s0, s28  }
0x41: {  	s29 =	sor.u32 s4, s0  }
0x42: {  	v3 =	vld.idx.msk [tilespmem:v1+s29+$0x0 ss:$0x1], $0xffff  }
0x43: {  	v4 =	vld.idx.msk [tilespmem:v0+s29+$0x0 ss:$0x1], $0xffff;
	_ =	sdelay $0x3  }
0x44: {  	s30 =	simm.s32 $0x80  }
0x45: {  	s0 =	simm.s32 $0x10;
	s4 =	sand.u32 $0x1C00, s30;
	v3 =	vadd.f32 v3, v4  }
0x46: {  	s31 =	simm.s32 $0x20;
	s0 =	sand.u32 $0x70, s0;
	s4 =	sor.u32 s4, s28  }
.LBB2_4:
0x47: {  	p2 =	sne.s32 s31, $0x3F0;
	[tilespmem:v2+s29+$0x0 ss:$0x1] =	vst.idx.msk $0xffff, v3;
	s29 =	sor.u32 s0, s4  }
0x48: {  	v3 =	vld.idx.msk [tilespmem:v1+s29+$0x0 ss:$0x1], $0xffff  }
0x49: {  	v4 =	vld.idx.msk [tilespmem:v0+s29+$0x0 ss:$0x1], $0xffff;
	_ =	sdelay $0x2  }
.Ltmp0:
0x4a: {  	(pc) =	sbr.rel @p2 .LBB2_4-.Ltmp0, $4  }
0x4b: {  	_ = 	snop  }
0x4c: {  	s30 =	sadd.s32 $0x80, s30  }
0x4d: {  	s4 =	sand.u32 $0x1C00, s30;
	v3 =	vadd.f32 v3, v4  }
0x4e: {  	s0 =	sand.u32 $0x70, s31;
	s31 =	sadd.s32 $0x10, s31;
	s4 =	sor.u32 s4, s28  }
0x4f: {  	_ =	sdelay $0x3  }
0x50: {  	s0 =	sor.u32 s0, s4;
	[tilespmem:v2+s29+$0x0 ss:$0x1] =	vst.idx.msk $0xffff, v3  }
0x51: {  	v3 =	vld.idx.msk [tilespmem:v1+s0+$0x0 ss:$0x1], $0xffff  }
0x52: {  	v4 =	vld.idx.msk [tilespmem:v0+s0+$0x0 ss:$0x1], $0xffff  }
0x53: {  	s26 =	sadd.s32 $0x1, s26  }
0x54: {  	p2 =	sne.s32 s26, $0x10  }
.Ltmp1:
0x55: {  	_ = 	snop;
	(pc) =	sbr.rel @p2 .LBB2_3-.Ltmp1, $3  }
0x56: {  	_ = 	snop  }
0x57: {  	v3 =	vadd.f32 v3, v4;
	_ =	sdelay $0x1  }
0x58: {  	[tilespmem:v2+s0+$0x0 ss:$0x1] =	vst.idx.msk $0xffff, v3  }
0x59: {  	p2 =	seq.s32 s19, $0x1F  }
0x5a: {  	p3 =	sne.s32 s21, s22;
	p4 =	sne.s32 s19, $0x0;
	p1 =	por p2, p1  }
0x5b: {  	_ =	strace $0x9000004D;
	p3 =	por !p4, !p3;
	s0 =	sshll.u32 @p1 s21, $0xB  }
0x5c: {  	_ =	strace @p1 $0x8000004E;
	s4 =	sadd.s32 @p1 $0x5, s23;
	s0 =	sand.u32 @p1 $0x1FFFF800, s0  }
0x5d: {  	s21 =	simm.s32 @p1 $0x0;
	p3 =	por !p3, !p3;
	s0 =	sadd.s32 @p1 s3, s0  }
0x5e: {  	[hbm4b:s0+s21] =	stream.linear.scatter @p1 [tilespmem:s24], [sflag:s4], $0x4000, $0x200038;
	[tilespmem:$0x18000] =	vst v63  }
0x5f: {  	s19 =	sadd.s32 $0x1, s19;
	p0 =	por p2, p0;
	s0 =	sand.u32 @p3 $0x1, s12  }
0x60: {  	s21 =	simm.s32 $0x1;
	_ =	strace @p1 $0x9000004E;
	s0 =	sadd.s32 @p3 $0x5, s0  }
0x61: {  	s21 =	simm.s32 @!p0 $0x0;
	p0 =	sne.s32 s19, $0x20;
	_ =	strace @p3 $0x8000004F  }
.Ltmp2:
0x62: {  	_ =	swait.ge @p3 [sflag:s0], $0x4000;
	(pc) =	sbr.rel @p0 .LBB2_2-.Ltmp2, $4  }
0x63: {  	s23 =	smov.u32 s20;
	s4 =	simm.s32 $0x1;
	[sflag:s0] =	ssyncset.done @p3 $0x0  }
0x64: {  	s4 =	simm.s32 @!p1 $0x0;
	[sflag:s0] =	ssyncadd.s32 @p3 $0xFFFFC000;
	s0 =	simm.s32 $0x1  }
0x65: {  	s14 =	sadd.s32 s4, s14;
	s17 =	sadd.s32 s4, s17;
	s0 =	simm.s32 @!p3 $0x0  }
0x66: {  	s15 =	sadd.s32 s21, s15;
	_ =	strace @p3 $0x9000004F;
	s12 =	sadd.s32 s0, s12  }
0x67: {  	s11 =	sadd.s32 $0x1, s11  }
0x68: {  	s0 =	sand.u32 $0x1, s12;
	p0 =	sne.s32 s11, s9  }
.Ltmp3:
0x69: {  	_ =	strace $0x80000050;
	s0 =	sadd.s32 $0x5, s0;
	(pc) =	sbr.rel @p0 .LBB2_1-.Ltmp3, $4  }
0x6a: {  	_ =	swait.ge [sflag:s0], $0x4000  }
0x6b: {  	[sflag:s0] =	ssyncset.done $0x0  }
0x6c: {  	[sflag:s0] =	ssyncadd.s32 $0xFFFFC000  }
0x6d: {  	_ =	strace $0x90000050  }
0x6e: {  	_ =	sfence.sel $0x180000  }
0x6f: {  	[bflag:$0x0] =	sbarrier.arrive $0xFFFF  }
0x70: {  	_ =	strace $0x90000047  }
0x71: {  	s0 =	stileid.u32;
	[bflag:$0x2] =	sbarrier.arrive $0xFFFF  }
0x72: {  	p0 =	sne.s32 s0, $0x0;
	s0 =	rddreg [dreg:$0x3]  }
0x73: {  	s0 =	sadd.s32 @!p0 $0x100000, s0  }
0x74: {  	[sflag:s0] =	ssyncadd.tile.s32 @!p0 $0x1;
	_ =	shalt  }
.Lfunc_end2:
_tile_overlayer_lowered:
.L_overlay_start_2:
0x75: {  	(tag) =	ssettag $0x2  }
0x76: {  	s0 =	rddreg [dreg:$0x0];
	s2 =	stileid.u32  }
0x77: {  	s1 =	rddreg [dreg:$0x1];
	p0 =	sne.s32 s2, $0x0  }
0x78: {  	s3 =	rddreg [dreg:$0x2];
	[bflag:$0x3] =	sbarrier.arrive $0xFFFF;
	s2 =	simm.s32 @!p0 $0x1C01  }
0x79: {  	[timem:s3], [sflag:s2] =	dma.local @!p0 [hbm:s0], s1  }
0x7a: {  	s0 =	simm.s32 @!p0 $0x1  }
0x7b: {  	_ =	swait.ge @!p0 [sflag:s0], s1  }
0x7c: {  	s1 =	ssub.s32 @!p0 $0x0, s1;
	[sflag:s0] =	ssyncset.done @!p0 $0x0  }
0x7d: {  	[sflag:s0] =	ssyncadd.s32 @!p0 s1  }
0x7e: {  	[bflag:$0x3] =	sbarrier.arrive $0xFFFF  }
0x7f: {  	_ =	shalt  }

</sc_bundles>
